<compile_context>
chip_gen: v7x
topology: tpu7x:2x2x1
jax: 0.10.2.dev20260603
libtpu: 0.0.44.dev20260713+nightly
codegen_flags: <defaults>
</compile_context>

<pallas_src>
import functools

import jax
import jax.numpy as jnp
from jax import lax
from jax.experimental import pallas as pl
from jax.experimental.pallas import tpu as pltpu
from jax.experimental.pallas import tpu_sc as plsc

L = 16
NC = 2
NS = 16
NW = NC * NS

_BATCH = 16384
_HIST = 200
_DIM = 32
_RW = _BATCH // NW
_C = 8
_NK = _RW // _C
_CH = _C * _HIST
_GF = _HIST // L


def _sc_body(idx_hbm, sc_hbm, tbl_hbm, out_hbm,
             idx_v0, idx_v1, sc_v0, sc_v1, rows_v0, rows_v1, out_v,
             csem0, csem1, gsem0, gsem1):
  idx_bufs = (idx_v0, idx_v1)
  sc_bufs = (sc_v0, sc_v1)
  rows_bufs = (rows_v0, rows_v1)
  csems = (csem0, csem1)
  gsems = (gsem0, gsem1)

  wid = lax.axis_index("s") * NC + lax.axis_index("c")
  fbase = wid * (_RW * _HIST)

  def copy_start(kk, slot):
    off = fbase + kk * _CH
    pltpu.async_copy(idx_hbm.at[pl.ds(off, _CH)], idx_bufs[slot], csems[slot])
    pltpu.async_copy(sc_hbm.at[pl.ds(off, _CH)], sc_bufs[slot], csems[slot])

  def copy_wait(kk, slot):
    off = fbase + kk * _CH
    pltpu.make_async_copy(idx_hbm.at[pl.ds(off, _CH)], idx_bufs[slot],
                          csems[slot]).wait()
    pltpu.make_async_copy(sc_hbm.at[pl.ds(off, _CH)], sc_bufs[slot],
                          csems[slot]).wait()

  def gather_start(slot):
    pltpu.async_copy(tbl_hbm.at[idx_bufs[slot]], rows_bufs[slot], gsems[slot])

  def gather_wait(slot):
    pltpu.make_async_copy(tbl_hbm.at[idx_bufs[slot]], rows_bufs[slot],
                          gsems[slot]).wait()

  def compute(kk, slot):
    rows = rows_bufs[slot]
    scs = sc_bufs[slot]

    def accum(off, js, accs):
      a0, a1 = accs
      sv = scs[pl.ds(off, L)]
      for j in js:
        s = sv[j]
        a0 = a0 + rows[off + j, pl.ds(0, L)] * s
        a1 = a1 + rows[off + j, pl.ds(L, L)] * s
      return a0, a1

    def row_body(c, _):
      roff = c * _HIST

      def grp_body(g, accs):
        return accum(roff + g * L, range(L), accs)

      z = jnp.zeros((L,), jnp.float32)
      a0, a1 = lax.fori_loop(0, _GF, grp_body, (z, z))
      a0, a1 = accum(roff + _HIST - L, range(L - 8, L), (a0, a1))
      out_v[kk * _C + c, pl.ds(0, L)] = a0
      out_v[kk * _C + c, pl.ds(L, L)] = a1
      return 0

    lax.fori_loop(0, _C, row_body, 0)

  copy_start(0, 0)
  copy_wait(0, 0)
  gather_start(0)
  copy_start(1, 1)

  def outer(i, _):
    for s in range(2):
      kk = i * 2 + s
      slot = s
      nslot = 1 - s
      gather_wait(slot)

      @pl.when(kk + 1 < _NK)
      def _():
        copy_wait(kk + 1, nslot)
        gather_start(nslot)

      compute(kk, slot)

      @pl.when(kk + 2 < _NK)
      def _():
        copy_start(kk + 2, slot)
    return 0

  lax.fori_loop(0, _NK // 2, outer, 0)

  pltpu.sync_copy(out_v, out_hbm.at[pl.ds(wid * _RW, _RW)])


@functools.partial(
    pl.kernel,
    out_type=jax.ShapeDtypeStruct((_BATCH, _DIM), jnp.float32),
    mesh=plsc.VectorSubcoreMesh(core_axis_name="c", subcore_axis_name="s"),
    compiler_params=pltpu.CompilerParams(use_tc_tiling_on_sc=False),
    scratch_types=[
        pltpu.VMEM((_CH,), jnp.int32),
        pltpu.VMEM((_CH,), jnp.int32),
        pltpu.VMEM((_CH,), jnp.float32),
        pltpu.VMEM((_CH,), jnp.float32),
        pltpu.VMEM((_CH, _DIM), jnp.float32),
        pltpu.VMEM((_CH, _DIM), jnp.float32),
        pltpu.VMEM((_RW, _DIM), jnp.float32),
        pltpu.SemaphoreType.DMA,
        pltpu.SemaphoreType.DMA,
        pltpu.SemaphoreType.DMA,
        pltpu.SemaphoreType.DMA,
    ],
)
def _sc_call(idx_hbm, sc_hbm, tbl_hbm, out_hbm, *rest):
  _sc_body(idx_hbm, sc_hbm, tbl_hbm, out_hbm, *rest)


@jax.jit
def kernel(indices, scores, weight):
  return _sc_call(indices.reshape(-1), scores.reshape(-1), weight)

# --- scband reference (transcript-rebuilt; emitter-appended) ---
"""Pipeline reference for scband-zero-copy-19052474925207 (READ-ONLY COPY).

The authoritative reference and input builder live on the scoring server;
editing this copy changes nothing except your own understanding.
"""

import jax, jax.numpy as jnp
import numpy as np

NUM_EMBEDDINGS = 1000000
EMBEDDING_DIM = 32
BATCH = 16384
HIST = 200


def setup_inputs(seed: int = 0) -> dict:
    key = jax.random.key(seed)
    k1, k2, k3 = jax.random.split(key, 3)
    indices = jax.random.randint(k1, (BATCH, HIST), 0, NUM_EMBEDDINGS, dtype=jnp.int64 if jax.config.jax_enable_x64 else jnp.int32).astype(jnp.int32)
    scores = jax.random.uniform(k2, (BATCH, HIST), dtype=jnp.float32)
    weight = jax.random.normal(k3, (NUM_EMBEDDINGS, EMBEDDING_DIM), dtype=jnp.float32) * (EMBEDDING_DIM ** -0.5)
    return {"indices": indices, "scores": scores, "weight": weight}


def reference(indices, scores, weight):
    # Faithful translation of ZeroCopy._forward_optimized
    original_shape = indices.shape
    flat_indices = indices.reshape(-1)
    # 1. Deduplicate indices (torch.unique(return_inverse=True))
    unique_indices, inverse_indices = jnp.unique(flat_indices, return_inverse=True, size=flat_indices.size, fill_value=0)
    # 2. Embedding lookup on deduplicated indices
    unique_emb = jnp.take(weight, unique_indices, axis=0)
    # 3. Compress to bfloat16 (simulated host->device transfer compression)
    unique_emb_compressed = unique_emb.astype(jnp.bfloat16)
    # 4. Restore original shape + weighted sum
    expanded_emb = jnp.take(unique_emb_compressed, inverse_indices, axis=0)
    expanded_emb = expanded_emb.reshape(original_shape + (weight.shape[1],))
    scores_expanded = scores[..., None]
    # bf16 * f32 promotes to f32 (same as torch)
    output = (expanded_emb * scores_expanded).sum(axis=1)
    return output.astype(scores.dtype)

if __name__ == "__main__":
    import jax
    _d = setup_inputs()
    print(jax.jit(kernel)(*tuple(_d.values())))

</pallas_src>

<mosaic_0001>
#map = affine_map<(d0, d1) -> (0)>
#map1 = affine_map<(d0, d1) -> (0, 0)>
module attributes {stable_mosaic.version = 14 : i64} {
  func.func @_sc_call(%arg0: i32, %arg1: i32, %arg2: memref<3276800xi32, #tpu.memory_space<hbm>>, %arg3: memref<3276800xf32, #tpu.memory_space<hbm>>, %arg4: memref<1000000x32xf32, #tpu.memory_space<hbm>>, %arg5: memref<16384x32xf32, #tpu.memory_space<hbm>>, %arg6: memref<1600xi32, #tpu.memory_space<vmem>>, %arg7: memref<1600xi32, #tpu.memory_space<vmem>>, %arg8: memref<1600xf32, #tpu.memory_space<vmem>>, %arg9: memref<1600xf32, #tpu.memory_space<vmem>>, %arg10: memref<1600x32xf32, #tpu.memory_space<vmem>>, %arg11: memref<1600x32xf32, #tpu.memory_space<vmem>>, %arg12: memref<512x32xf32, #tpu.memory_space<vmem>>, %arg13: memref<!tpu.dma_semaphore, #tpu.memory_space<semaphore_mem>>, %arg14: memref<!tpu.dma_semaphore, #tpu.memory_space<semaphore_mem>>, %arg15: memref<!tpu.dma_semaphore, #tpu.memory_space<semaphore_mem>>, %arg16: memref<!tpu.dma_semaphore, #tpu.memory_space<semaphore_mem>>) attributes {dimension_semantics = [#tpu.dimension_semantics<core_parallel>, #tpu.dimension_semantics<subcore_parallel>], iteration_bounds = array<i64: 2, 16>, scalar_prefetch = 0 : i64, scratch_operands = 11 : i64, tpu.core_type = #tpu.core_type<sc_vector_subcore>, window_params = [{transform_indices = #map}, {transform_indices = #map}, {transform_indices = #map1}, {transform_indices = #map1}]} {
    %mul3A = arith.constant 2 : i32
    %mul3A_0 = arith.muli %arg1, %mul3A : i32
    %add3A = arith.addi %mul3A_0, %arg0 : i32
    %mul3A_1 = arith.constant 102400 : i32
    %mul3A_2 = arith.muli %add3A, %mul3A_1 : i32
    %add3A_3 = arith.constant 0 : i32
    %add3A_4 = arith.addi %mul3A_2, %add3A_3 : i32
    %dma_start3A = tpu.memref_slice %arg2[%add3A_4] : memref<3276800xi32, #tpu.memory_space<hbm>> -> memref<1600xi32, #tpu.memory_space<hbm>>
    %dma_start3A_5 = tpu.memref_slice %arg2[%add3A_4] : memref<3276800xi32, #tpu.memory_space<hbm>> -> memref<1600xi32, #tpu.memory_space<hbm>>
    tpu.enqueue_dma source(%dma_start3A_5 : memref<1600xi32, #tpu.memory_space<hbm>>) target(%arg6 : memref<1600xi32, #tpu.memory_space<vmem>>) target_semaphore(%arg13 : memref<!tpu.dma_semaphore, #tpu.memory_space<semaphore_mem>>)
    %dma_start3A_6 = tpu.memref_slice %arg3[%add3A_4] : memref<3276800xf32, #tpu.memory_space<hbm>> -> memref<1600xf32, #tpu.memory_space<hbm>>
    %dma_start3A_7 = tpu.memref_slice %arg3[%add3A_4] : memref<3276800xf32, #tpu.memory_space<hbm>> -> memref<1600xf32, #tpu.memory_space<hbm>>
    tpu.enqueue_dma source(%dma_start3A_7 : memref<1600xf32, #tpu.memory_space<hbm>>) target(%arg8 : memref<1600xf32, #tpu.memory_space<vmem>>) target_semaphore(%arg13 : memref<!tpu.dma_semaphore, #tpu.memory_space<semaphore_mem>>)
    %add3A_8 = arith.constant 0 : i32
    %add3A_9 = arith.addi %mul3A_2, %add3A_8 : i32
    %dma_wait3A = tpu.memref_slice %arg2[%add3A_9] : memref<3276800xi32, #tpu.memory_space<hbm>> -> memref<1600xi32, #tpu.memory_space<hbm>>
    %dma_wait3A_10 = tpu.memref_slice %arg2[%add3A_9] : memref<3276800xi32, #tpu.memory_space<hbm>> -> memref<1600xi32, #tpu.memory_space<hbm>>
    tpu.wait_dma2 semaphore(%arg13 : memref<!tpu.dma_semaphore, #tpu.memory_space<semaphore_mem>>) src(%dma_wait3A_10 : memref<1600xi32, #tpu.memory_space<hbm>>) dst(%arg6 : memref<1600xi32, #tpu.memory_space<vmem>>)
    %dma_wait3A_11 = tpu.memref_slice %arg3[%add3A_9] : memref<3276800xf32, #tpu.memory_space<hbm>> -> memref<1600xf32, #tpu.memory_space<hbm>>
    %dma_wait3A_12 = tpu.memref_slice %arg3[%add3A_9] : memref<3276800xf32, #tpu.memory_space<hbm>> -> memref<1600xf32, #tpu.memory_space<hbm>>
    tpu.wait_dma2 semaphore(%arg13 : memref<!tpu.dma_semaphore, #tpu.memory_space<semaphore_mem>>) src(%dma_wait3A_12 : memref<1600xf32, #tpu.memory_space<hbm>>) dst(%arg8 : memref<1600xf32, #tpu.memory_space<vmem>>)
    %dma_start3A_13 = arith.constant 0 : i32
    %dma_start3A_14 = arith.constant 0 : i32
    %dma_start3A_15 = tpu.memref_slice %arg4[%dma_start3A_13, %dma_start3A_14] : memref<1000000x32xf32, #tpu.memory_space<hbm>> -> memref<1000000x32xf32, #tpu.memory_space<hbm>>
    tpu.enqueue_indirect_dma source(%dma_start3A_15 : memref<1000000x32xf32, #tpu.memory_space<hbm>>) target(%arg10 : memref<1600x32xf32, #tpu.memory_space<vmem>>) offsets(%arg6 : memref<1600xi32, #tpu.memory_space<vmem>>) semaphore(%arg15 : memref<!tpu.dma_semaphore, #tpu.memory_space<semaphore_mem>>)
    %add3A_16 = arith.constant 1600 : i32
    %add3A_17 = arith.addi %mul3A_2, %add3A_16 : i32
    %dma_start3A_18 = tpu.memref_slice %arg2[%add3A_17] : memref<3276800xi32, #tpu.memory_space<hbm>> -> memref<1600xi32, #tpu.memory_space<hbm>>
    %dma_start3A_19 = tpu.memref_slice %arg2[%add3A_17] : memref<3276800xi32, #tpu.memory_space<hbm>> -> memref<1600xi32, #tpu.memory_space<hbm>>
    tpu.enqueue_dma source(%dma_start3A_19 : memref<1600xi32, #tpu.memory_space<hbm>>) target(%arg7 : memref<1600xi32, #tpu.memory_space<vmem>>) target_semaphore(%arg14 : memref<!tpu.dma_semaphore, #tpu.memory_space<semaphore_mem>>)
    %dma_start3A_20 = tpu.memref_slice %arg3[%add3A_17] : memref<3276800xf32, #tpu.memory_space<hbm>> -> memref<1600xf32, #tpu.memory_space<hbm>>
    %dma_start3A_21 = tpu.memref_slice %arg3[%add3A_17] : memref<3276800xf32, #tpu.memory_space<hbm>> -> memref<1600xf32, #tpu.memory_space<hbm>>
    tpu.enqueue_dma source(%dma_start3A_21 : memref<1600xf32, #tpu.memory_space<hbm>>) target(%arg9 : memref<1600xf32, #tpu.memory_space<vmem>>) target_semaphore(%arg14 : memref<!tpu.dma_semaphore, #tpu.memory_space<semaphore_mem>>)
    %scan3A = arith.constant 0 : i32
    %scan3A_22 = arith.constant 0 : i32
    %scan3A_23 = arith.constant 32 : i32
    %scan3A_24 = arith.addi %scan3A_22, %scan3A_23 : i32
    %scan3A_25 = arith.constant 1 : i32
    %scan3A_26 = scf.for %scan3A_30 = %scan3A_22 to %scan3A_24 step %scan3A_25 iter_args(%scan3A_31 = %scan3A) -> (i32)  : i32 {
      %mul3A_32 = arith.constant 2 : i32
      %mul3A_33 = arith.muli %scan3A_30, %mul3A_32 : i32
      %add3A_34 = arith.constant 0 : i32
      %add3A_35 = arith.addi %mul3A_33, %add3A_34 : i32
      %dma_wait3A_36 = arith.constant 0 : i32
      %dma_wait3A_37 = arith.constant 0 : i32
      %dma_wait3A_38 = tpu.memref_slice %arg4[%dma_wait3A_36, %dma_wait3A_37] : memref<1000000x32xf32, #tpu.memory_space<hbm>> -> memref<1000000x32xf32, #tpu.memory_space<hbm>>
      tpu.wait_indirect_dma semaphore(%arg15 : memref<!tpu.dma_semaphore, #tpu.memory_space<semaphore_mem>>) src(%dma_wait3A_38 : memref<1000000x32xf32, #tpu.memory_space<hbm>>) dst(%arg10 : memref<1600x32xf32, #tpu.memory_space<vmem>>)
      %add3A_39 = arith.constant 1 : i32
      %add3A_40 = arith.addi %add3A_35, %add3A_39 : i32
      %lt3A = arith.constant 64 : i32
      %lt3A_41 = arith.cmpi slt, %add3A_40, %lt3A : i32
      %convert_element_type3A = arith.extui %lt3A_41 : i1 to i32
      %cond3A = arith.constant 0 : i32
      %cond3A_42 = arith.cmpi ne, %convert_element_type3A, %cond3A : i32
      scf.if %cond3A_42 {
        %add3A_86 = arith.constant 1 : i32
        %add3A_87 = arith.addi %add3A_35, %add3A_86 : i32
        %mul3A_88 = arith.constant 1600 : i32
        %mul3A_89 = arith.muli %add3A_87, %mul3A_88 : i32
        %add3A_90 = arith.addi %mul3A_2, %mul3A_89 : i32
        %dma_wait3A_91 = tpu.memref_slice %arg2[%add3A_90] : memref<3276800xi32, #tpu.memory_space<hbm>> -> memref<1600xi32, #tpu.memory_space<hbm>>
        %dma_wait3A_92 = tpu.memref_slice %arg2[%add3A_90] : memref<3276800xi32, #tpu.memory_space<hbm>> -> memref<1600xi32, #tpu.memory_space<hbm>>
        tpu.wait_dma2 semaphore(%arg14 : memref<!tpu.dma_semaphore, #tpu.memory_space<semaphore_mem>>) src(%dma_wait3A_92 : memref<1600xi32, #tpu.memory_space<hbm>>) dst(%arg7 : memref<1600xi32, #tpu.memory_space<vmem>>)
        %dma_wait3A_93 = tpu.memref_slice %arg3[%add3A_90] : memref<3276800xf32, #tpu.memory_space<hbm>> -> memref<1600xf32, #tpu.memory_space<hbm>>
        %dma_wait3A_94 = tpu.memref_slice %arg3[%add3A_90] : memref<3276800xf32, #tpu.memory_space<hbm>> -> memref<1600xf32, #tpu.memory_space<hbm>>
        tpu.wait_dma2 semaphore(%arg14 : memref<!tpu.dma_semaphore, #tpu.memory_space<semaphore_mem>>) src(%dma_wait3A_94 : memref<1600xf32, #tpu.memory_space<hbm>>) dst(%arg9 : memref<1600xf32, #tpu.memory_space<vmem>>)
        %dma_start3A_95 = arith.constant 0 : i32
        %dma_start3A_96 = arith.constant 0 : i32
        %dma_start3A_97 = tpu.memref_slice %arg4[%dma_start3A_95, %dma_start3A_96] : memref<1000000x32xf32, #tpu.memory_space<hbm>> -> memref<1000000x32xf32, #tpu.memory_space<hbm>>
        tpu.enqueue_indirect_dma source(%dma_start3A_97 : memref<1000000x32xf32, #tpu.memory_space<hbm>>) target(%arg11 : memref<1600x32xf32, #tpu.memory_space<vmem>>) offsets(%arg7 : memref<1600xi32, #tpu.memory_space<vmem>>) semaphore(%arg16 : memref<!tpu.dma_semaphore, #tpu.memory_space<semaphore_mem>>)
      } else {
      }
      %scan3A_43 = arith.constant 0 : i32
      %scan3A_44 = arith.constant 0 : i32
      %scan3A_45 = arith.constant 8 : i32
      %scan3A_46 = arith.addi %scan3A_44, %scan3A_45 : i32
      %scan3A_47 = arith.constant 1 : i32
      %scan3A_48 = scf.for %scan3A_86 = %scan3A_44 to %scan3A_46 step %scan3A_47 iter_args(%scan3A_87 = %scan3A_43) -> (i32)  : i32 {
        %mul3A_88 = arith.constant 200 : i32
        %mul3A_89 = arith.muli %scan3A_86, %mul3A_88 : i32
        %broadcast_in_dim3A = arith.constant 0.000000e+00 : f32
        %broadcast_in_dim3A_90 = vector.broadcast %broadcast_in_dim3A : f32 to vector<16xf32>
        %scan3A_91 = arith.constant 0 : i32
        %scan3A_92 = arith.constant 12 : i32
        %scan3A_93 = arith.addi %scan3A_91, %scan3A_92 : i32
        %scan3A_94 = arith.constant 1 : i32
        %scan3A_95:2 = scf.for %scan3A_276 = %scan3A_91 to %scan3A_93 step %scan3A_94 iter_args(%scan3A_277 = %broadcast_in_dim3A_90, %scan3A_278 = %broadcast_in_dim3A_90) -> (vector<16xf32>, vector<16xf32>)  : i32 {
          %mul3A_279 = arith.constant 16 : i32
          %mul3A_280 = arith.muli %scan3A_276, %mul3A_279 : i32
          %add3A_281 = arith.addi %mul3A_89, %mul3A_280 : i32
          %get3A_282 = arith.index_cast %add3A_281 : i32 to index
          %get3A_283 = tpu.vector_load %arg8[%get3A_282] {strides = array<i32>} : memref<1600xf32, #tpu.memory_space<vmem>>, vector<16xf32>,
          %get3A_284 = vector.shape_cast %get3A_283 : vector<16xf32> to vector<16xf32>
          %slice3A_285 = vector.extract_strided_slice %get3A_284 {offsets = [0], sizes = [1], strides = [1]} : vector<16xf32> to vector<1xf32>
          %squeeze3A_286 = vector.extract %slice3A_285[0] : f32 from vector<1xf32>
          %add3A_287 = arith.constant 0 : i32
          %add3A_288 = arith.addi %add3A_281, %add3A_287 : i32
          %get3A_289 = arith.index_cast %add3A_288 : i32 to index
          %get3A_290 = arith.constant 0 : index
          %get3A_291 = tpu.vector_load %arg10[%get3A_289, %get3A_290] {strides = array<i32>} : memref<1600x32xf32, #tpu.memory_space<vmem>>, vector<1x16xf32>,
          %get3A_292 = vector.shape_cast %get3A_291 : vector<1x16xf32> to vector<16xf32>
          %mul3A_293 = vector.broadcast %squeeze3A_286 : f32 to vector<16xf32>
          %mul3A_294 = arith.mulf %get3A_292, %mul3A_293 : vector<16xf32>
          %add3A_295 = arith.addf %scan3A_277, %mul3A_294 : vector<16xf32>
          %add3A_296 = arith.constant 0 : i32
          %add3A_297 = arith.addi %add3A_281, %add3A_296 : i32
          %get3A_298 = arith.index_cast %add3A_297 : i32 to index
          %get3A_299 = arith.constant 16 : index
          %get3A_300 = tpu.vector_load %arg10[%get3A_298, %get3A_299] {strides = array<i32>} : memref<1600x32xf32, #tpu.memory_space<vmem>>, vector<1x16xf32>,
          %get3A_301 = vector.shape_cast %get3A_300 : vector<1x16xf32> to vector<16xf32>
          %mul3A_302 = vector.broadcast %squeeze3A_286 : f32 to vector<16xf32>
          %mul3A_303 = arith.mulf %get3A_301, %mul3A_302 : vector<16xf32>
          %add3A_304 = arith.addf %scan3A_278, %mul3A_303 : vector<16xf32>
          %slice3A_305 = vector.extract_strided_slice %get3A_284 {offsets = [1], sizes = [1], strides = [1]} : vector<16xf32> to vector<1xf32>
          %squeeze3A_306 = vector.extract %slice3A_305[0] : f32 from vector<1xf32>
          %add3A_307 = arith.constant 1 : i32
          %add3A_308 = arith.addi %add3A_281, %add3A_307 : i32
          %get3A_309 = arith.index_cast %add3A_308 : i32 to index
          %get3A_310 = arith.constant 0 : index
          %get3A_311 = tpu.vector_load %arg10[%get3A_309, %get3A_310] {strides = array<i32>} : memref<1600x32xf32, #tpu.memory_space<vmem>>, vector<1x16xf32>,
          %get3A_312 = vector.shape_cast %get3A_311 : vector<1x16xf32> to vector<16xf32>
          %mul3A_313 = vector.broadcast %squeeze3A_306 : f32 to vector<16xf32>
          %mul3A_314 = arith.mulf %get3A_312, %mul3A_313 : vector<16xf32>
          %add3A_315 = arith.addf %add3A_295, %mul3A_314 : vector<16xf32>
          %add3A_316 = arith.constant 1 : i32
          %add3A_317 = arith.addi %add3A_281, %add3A_316 : i32
          %get3A_318 = arith.index_cast %add3A_317 : i32 to index
          %get3A_319 = arith.constant 16 : index
          %get3A_320 = tpu.vector_load %arg10[%get3A_318, %get3A_319] {strides = array<i32>} : memref<1600x32xf32, #tpu.memory_space<vmem>>, vector<1x16xf32>,
          %get3A_321 = vector.shape_cast %get3A_320 : vector<1x16xf32> to vector<16xf32>
          %mul3A_322 = vector.broadcast %squeeze3A_306 : f32 to vector<16xf32>
          %mul3A_323 = arith.mulf %get3A_321, %mul3A_322 : vector<16xf32>
          %add3A_324 = arith.addf %add3A_304, %mul3A_323 : vector<16xf32>
          %slice3A_325 = vector.extract_strided_slice %get3A_284 {offsets = [2], sizes = [1], strides = [1]} : vector<16xf32> to vector<1xf32>
          %squeeze3A_326 = vector.extract %slice3A_325[0] : f32 from vector<1xf32>
          %add3A_327 = arith.constant 2 : i32
          %add3A_328 = arith.addi %add3A_281, %add3A_327 : i32
          %get3A_329 = arith.index_cast %add3A_328 : i32 to index
          %get3A_330 = arith.constant 0 : index
          %get3A_331 = tpu.vector_load %arg10[%get3A_329, %get3A_330] {strides = array<i32>} : memref<1600x32xf32, #tpu.memory_space<vmem>>, vector<1x16xf32>,
          %get3A_332 = vector.shape_cast %get3A_331 : vector<1x16xf32> to vector<16xf32>
          %mul3A_333 = vector.broadcast %squeeze3A_326 : f32 to vector<16xf32>
          %mul3A_334 = arith.mulf %get3A_332, %mul3A_333 : vector<16xf32>
          %add3A_335 = arith.addf %add3A_315, %mul3A_334 : vector<16xf32>
          %add3A_336 = arith.constant 2 : i32
          %add3A_337 = arith.addi %add3A_281, %add3A_336 : i32
          %get3A_338 = arith.index_cast %add3A_337 : i32 to index
          %get3A_339 = arith.constant 16 : index
          %get3A_340 = tpu.vector_load %arg10[%get3A_338, %get3A_339] {strides = array<i32>} : memref<1600x32xf32, #tpu.memory_space<vmem>>, vector<1x16xf32>,
          %get3A_341 = vector.shape_cast %get3A_340 : vector<1x16xf32> to vector<16xf32>
          %mul3A_342 = vector.broadcast %squeeze3A_326 : f32 to vector<16xf32>
          %mul3A_343 = arith.mulf %get3A_341, %mul3A_342 : vector<16xf32>
          %add3A_344 = arith.addf %add3A_324, %mul3A_343 : vector<16xf32>
          %slice3A_345 = vector.extract_strided_slice %get3A_284 {offsets = [3], sizes = [1], strides = [1]} : vector<16xf32> to vector<1xf32>
          %squeeze3A_346 = vector.extract %slice3A_345[0] : f32 from vector<1xf32>
          %add3A_347 = arith.constant 3 : i32
          %add3A_348 = arith.addi %add3A_281, %add3A_347 : i32
          %get3A_349 = arith.index_cast %add3A_348 : i32 to index
          %get3A_350 = arith.constant 0 : index
          %get3A_351 = tpu.vector_load %arg10[%get3A_349, %get3A_350] {strides = array<i32>} : memref<1600x32xf32, #tpu.memory_space<vmem>>, vector<1x16xf32>,
          %get3A_352 = vector.shape_cast %get3A_351 : vector<1x16xf32> to vector<16xf32>
          %mul3A_353 = vector.broadcast %squeeze3A_346 : f32 to vector<16xf32>
          %mul3A_354 = arith.mulf %get3A_352, %mul3A_353 : vector<16xf32>
          %add3A_355 = arith.addf %add3A_335, %mul3A_354 : vector<16xf32>
          %add3A_356 = arith.constant 3 : i32
          %add3A_357 = arith.addi %add3A_281, %add3A_356 : i32
          %get3A_358 = arith.index_cast %add3A_357 : i32 to index
          %get3A_359 = arith.constant 16 : index
          %get3A_360 = tpu.vector_load %arg10[%get3A_358, %get3A_359] {strides = array<i32>} : memref<1600x32xf32, #tpu.memory_space<vmem>>, vector<1x16xf32>,
          %get3A_361 = vector.shape_cast %get3A_360 : vector<1x16xf32> to vector<16xf32>
          %mul3A_362 = vector.broadcast %squeeze3A_346 : f32 to vector<16xf32>
          %mul3A_363 = arith.mulf %get3A_361, %mul3A_362 : vector<16xf32>
          %add3A_364 = arith.addf %add3A_344, %mul3A_363 : vector<16xf32>
          %slice3A_365 = vector.extract_strided_slice %get3A_284 {offsets = [4], sizes = [1], strides = [1]} : vector<16xf32> to vector<1xf32>
          %squeeze3A_366 = vector.extract %slice3A_365[0] : f32 from vector<1xf32>
          %add3A_367 = arith.constant 4 : i32
          %add3A_368 = arith.addi %add3A_281, %add3A_367 : i32
          %get3A_369 = arith.index_cast %add3A_368 : i32 to index
          %get3A_370 = arith.constant 0 : index
          %get3A_371 = tpu.vector_load %arg10[%get3A_369, %get3A_370] {strides = array<i32>} : memref<1600x32xf32, #tpu.memory_space<vmem>>, vector<1x16xf32>,
          %get3A_372 = vector.shape_cast %get3A_371 : vector<1x16xf32> to vector<16xf32>
          %mul3A_373 = vector.broadcast %squeeze3A_366 : f32 to vector<16xf32>
          %mul3A_374 = arith.mulf %get3A_372, %mul3A_373 : vector<16xf32>
          %add3A_375 = arith.addf %add3A_355, %mul3A_374 : vector<16xf32>
          %add3A_376 = arith.constant 4 : i32
          %add3A_377 = arith.addi %add3A_281, %add3A_376 : i32
          %get3A_378 = arith.index_cast %add3A_377 : i32 to index
          %get3A_379 = arith.constant 16 : index
          %get3A_380 = tpu.vector_load %arg10[%get3A_378, %get3A_379] {strides = array<i32>} : memref<1600x32xf32, #tpu.memory_space<vmem>>, vector<1x16xf32>,
          %get3A_381 = vector.shape_cast %get3A_380 : vector<1x16xf32> to vector<16xf32>
          %mul3A_382 = vector.broadcast %squeeze3A_366 : f32 to vector<16xf32>
          %mul3A_383 = arith.mulf %get3A_381, %mul3A_382 : vector<16xf32>
          %add3A_384 = arith.addf %add3A_364, %mul3A_383 : vector<16xf32>
          %slice3A_385 = vector.extract_strided_slice %get3A_284 {offsets = [5], sizes = [1], strides = [1]} : vector<16xf32> to vector<1xf32>
          %squeeze3A_386 = vector.extract %slice3A_385[0] : f32 from vector<1xf32>
          %add3A_387 = arith.constant 5 : i32
          %add3A_388 = arith.addi %add3A_281, %add3A_387 : i32
          %get3A_389 = arith.index_cast %add3A_388 : i32 to index
          %get3A_390 = arith.constant 0 : index
          %get3A_391 = tpu.vector_load %arg10[%get3A_389, %get3A_390] {strides = array<i32>} : memref<1600x32xf32, #tpu.memory_space<vmem>>, vector<1x16xf32>,
          %get3A_392 = vector.shape_cast %get3A_391 : vector<1x16xf32> to vector<16xf32>
          %mul3A_393 = vector.broadcast %squeeze3A_386 : f32 to vector<16xf32>
          %mul3A_394 = arith.mulf %get3A_392, %mul3A_393 : vector<16xf32>
          %add3A_395 = arith.addf %add3A_375, %mul3A_394 : vector<16xf32>
          %add3A_396 = arith.constant 5 : i32
          %add3A_397 = arith.addi %add3A_281, %add3A_396 : i32
          %get3A_398 = arith.index_cast %add3A_397 : i32 to index
          %get3A_399 = arith.constant 16 : index
          %get3A_400 = tpu.vector_load %arg10[%get3A_398, %get3A_399] {strides = array<i32>} : memref<1600x32xf32, #tpu.memory_space<vmem>>, vector<1x16xf32>,
          %get3A_401 = vector.shape_cast %get3A_400 : vector<1x16xf32> to vector<16xf32>
          %mul3A_402 = vector.broadcast %squeeze3A_386 : f32 to vector<16xf32>
          %mul3A_403 = arith.mulf %get3A_401, %mul3A_402 : vector<16xf32>
          %add3A_404 = arith.addf %add3A_384, %mul3A_403 : vector<16xf32>
          %slice3A_405 = vector.extract_strided_slice %get3A_284 {offsets = [6], sizes = [1], strides = [1]} : vector<16xf32> to vector<1xf32>
          %squeeze3A_406 = vector.extract %slice3A_405[0] : f32 from vector<1xf32>
          %add3A_407 = arith.constant 6 : i32
          %add3A_408 = arith.addi %add3A_281, %add3A_407 : i32
          %get3A_409 = arith.index_cast %add3A_408 : i32 to index
          %get3A_410 = arith.constant 0 : index
          %get3A_411 = tpu.vector_load %arg10[%get3A_409, %get3A_410] {strides = array<i32>} : memref<1600x32xf32, #tpu.memory_space<vmem>>, vector<1x16xf32>,
          %get3A_412 = vector.shape_cast %get3A_411 : vector<1x16xf32> to vector<16xf32>
          %mul3A_413 = vector.broadcast %squeeze3A_406 : f32 to vector<16xf32>
          %mul3A_414 = arith.mulf %get3A_412, %mul3A_413 : vector<16xf32>
          %add3A_415 = arith.addf %add3A_395, %mul3A_414 : vector<16xf32>
          %add3A_416 = arith.constant 6 : i32
          %add3A_417 = arith.addi %add3A_281, %add3A_416 : i32
          %get3A_418 = arith.index_cast %add3A_417 : i32 to index
          %get3A_419 = arith.constant 16 : index
          %get3A_420 = tpu.vector_load %arg10[%get3A_418, %get3A_419] {strides = array<i32>} : memref<1600x32xf32, #tpu.memory_space<vmem>>, vector<1x16xf32>,
          %get3A_421 = vector.shape_cast %get3A_420 : vector<1x16xf32> to vector<16xf32>
          %mul3A_422 = vector.broadcast %squeeze3A_406 : f32 to vector<16xf32>
          %mul3A_423 = arith.mulf %get3A_421, %mul3A_422 : vector<16xf32>
          %add3A_424 = arith.addf %add3A_404, %mul3A_423 : vector<16xf32>
          %slice3A_425 = vector.extract_strided_slice %get3A_284 {offsets = [7], sizes = [1], strides = [1]} : vector<16xf32> to vector<1xf32>
          %squeeze3A_426 = vector.extract %slice3A_425[0] : f32 from vector<1xf32>
          %add3A_427 = arith.constant 7 : i32
          %add3A_428 = arith.addi %add3A_281, %add3A_427 : i32
          %get3A_429 = arith.index_cast %add3A_428 : i32 to index
          %get3A_430 = arith.constant 0 : index
          %get3A_431 = tpu.vector_load %arg10[%get3A_429, %get3A_430] {strides = array<i32>} : memref<1600x32xf32, #tpu.memory_space<vmem>>, vector<1x16xf32>,
          %get3A_432 = vector.shape_cast %get3A_431 : vector<1x16xf32> to vector<16xf32>
          %mul3A_433 = vector.broadcast %squeeze3A_426 : f32 to vector<16xf32>
          %mul3A_434 = arith.mulf %get3A_432, %mul3A_433 : vector<16xf32>
          %add3A_435 = arith.addf %add3A_415, %mul3A_434 : vector<16xf32>
          %add3A_436 = arith.constant 7 : i32
          %add3A_437 = arith.addi %add3A_281, %add3A_436 : i32
          %get3A_438 = arith.index_cast %add3A_437 : i32 to index
          %get3A_439 = arith.constant 16 : index
          %get3A_440 = tpu.vector_load %arg10[%get3A_438, %get3A_439] {strides = array<i32>} : memref<1600x32xf32, #tpu.memory_space<vmem>>, vector<1x16xf32>,
          %get3A_441 = vector.shape_cast %get3A_440 : vector<1x16xf32> to vector<16xf32>
          %mul3A_442 = vector.broadcast %squeeze3A_426 : f32 to vector<16xf32>
          %mul3A_443 = arith.mulf %get3A_441, %mul3A_442 : vector<16xf32>
          %add3A_444 = arith.addf %add3A_424, %mul3A_443 : vector<16xf32>
          %slice3A_445 = vector.extract_strided_slice %get3A_284 {offsets = [8], sizes = [1], strides = [1]} : vector<16xf32> to vector<1xf32>
          %squeeze3A_446 = vector.extract %slice3A_445[0] : f32 from vector<1xf32>
          %add3A_447 = arith.constant 8 : i32
          %add3A_448 = arith.addi %add3A_281, %add3A_447 : i32
          %get3A_449 = arith.index_cast %add3A_448 : i32 to index
          %get3A_450 = arith.constant 0 : index
          %get3A_451 = tpu.vector_load %arg10[%get3A_449, %get3A_450] {strides = array<i32>} : memref<1600x32xf32, #tpu.memory_space<vmem>>, vector<1x16xf32>,
          %get3A_452 = vector.shape_cast %get3A_451 : vector<1x16xf32> to vector<16xf32>
          %mul3A_453 = vector.broadcast %squeeze3A_446 : f32 to vector<16xf32>
          %mul3A_454 = arith.mulf %get3A_452, %mul3A_453 : vector<16xf32>
          %add3A_455 = arith.addf %add3A_435, %mul3A_454 : vector<16xf32>
          %add3A_456 = arith.constant 8 : i32
          %add3A_457 = arith.addi %add3A_281, %add3A_456 : i32
          %get3A_458 = arith.index_cast %add3A_457 : i32 to index
          %get3A_459 = arith.constant 16 : index
          %get3A_460 = tpu.vector_load %arg10[%get3A_458, %get3A_459] {strides = array<i32>} : memref<1600x32xf32, #tpu.memory_space<vmem>>, vector<1x16xf32>,
          %get3A_461 = vector.shape_cast %get3A_460 : vector<1x16xf32> to vector<16xf32>
          %mul3A_462 = vector.broadcast %squeeze3A_446 : f32 to vector<16xf32>
          %mul3A_463 = arith.mulf %get3A_461, %mul3A_462 : vector<16xf32>
          %add3A_464 = arith.addf %add3A_444, %mul3A_463 : vector<16xf32>
          %slice3A_465 = vector.extract_strided_slice %get3A_284 {offsets = [9], sizes = [1], strides = [1]} : vector<16xf32> to vector<1xf32>
          %squeeze3A_466 = vector.extract %slice3A_465[0] : f32 from vector<1xf32>
          %add3A_467 = arith.constant 9 : i32
          %add3A_468 = arith.addi %add3A_281, %add3A_467 : i32
          %get3A_469 = arith.index_cast %add3A_468 : i32 to index
          %get3A_470 = arith.constant 0 : index
          %get3A_471 = tpu.vector_load %arg10[%get3A_469, %get3A_470] {strides = array<i32>} : memref<1600x32xf32, #tpu.memory_space<vmem>>, vector<1x16xf32>,
          %get3A_472 = vector.shape_cast %get3A_471 : vector<1x16xf32> to vector<16xf32>
          %mul3A_473 = vector.broadcast %squeeze3A_466 : f32 to vector<16xf32>
          %mul3A_474 = arith.mulf %get3A_472, %mul3A_473 : vector<16xf32>
          %add3A_475 = arith.addf %add3A_455, %mul3A_474 : vector<16xf32>
          %add3A_476 = arith.constant 9 : i32
          %add3A_477 = arith.addi %add3A_281, %add3A_476 : i32
          %get3A_478 = arith.index_cast %add3A_477 : i32 to index
          %get3A_479 = arith.constant 16 : index
          %get3A_480 = tpu.vector_load %arg10[%get3A_478, %get3A_479] {strides = array<i32>} : memref<1600x32xf32, #tpu.memory_space<vmem>>, vector<1x16xf32>,
          %get3A_481 = vector.shape_cast %get3A_480 : vector<1x16xf32> to vector<16xf32>
          %mul3A_482 = vector.broadcast %squeeze3A_466 : f32 to vector<16xf32>
          %mul3A_483 = arith.mulf %get3A_481, %mul3A_482 : vector<16xf32>
          %add3A_484 = arith.addf %add3A_464, %mul3A_483 : vector<16xf32>
          %slice3A_485 = vector.extract_strided_slice %get3A_284 {offsets = [10], sizes = [1], strides = [1]} : vector<16xf32> to vector<1xf32>
          %squeeze3A_486 = vector.extract %slice3A_485[0] : f32 from vector<1xf32>
          %add3A_487 = arith.constant 10 : i32
          %add3A_488 = arith.addi %add3A_281, %add3A_487 : i32
          %get3A_489 = arith.index_cast %add3A_488 : i32 to index
          %get3A_490 = arith.constant 0 : index
          %get3A_491 = tpu.vector_load %arg10[%get3A_489, %get3A_490] {strides = array<i32>} : memref<1600x32xf32, #tpu.memory_space<vmem>>, vector<1x16xf32>,
          %get3A_492 = vector.shape_cast %get3A_491 : vector<1x16xf32> to vector<16xf32>
          %mul3A_493 = vector.broadcast %squeeze3A_486 : f32 to vector<16xf32>
          %mul3A_494 = arith.mulf %get3A_492, %mul3A_493 : vector<16xf32>
          %add3A_495 = arith.addf %add3A_475, %mul3A_494 : vector<16xf32>
          %add3A_496 = arith.constant 10 : i32
          %add3A_497 = arith.addi %add3A_281, %add3A_496 : i32
          %get3A_498 = arith.index_cast %add3A_497 : i32 to index
          %get3A_499 = arith.constant 16 : index
          %get3A_500 = tpu.vector_load %arg10[%get3A_498, %get3A_499] {strides = array<i32>} : memref<1600x32xf32, #tpu.memory_space<vmem>>, vector<1x16xf32>,
          %get3A_501 = vector.shape_cast %get3A_500 : vector<1x16xf32> to vector<16xf32>
          %mul3A_502 = vector.broadcast %squeeze3A_486 : f32 to vector<16xf32>
          %mul3A_503 = arith.mulf %get3A_501, %mul3A_502 : vector<16xf32>
          %add3A_504 = arith.addf %add3A_484, %mul3A_503 : vector<16xf32>
          %slice3A_505 = vector.extract_strided_slice %get3A_284 {offsets = [11], sizes = [1], strides = [1]} : vector<16xf32> to vector<1xf32>
          %squeeze3A_506 = vector.extract %slice3A_505[0] : f32 from vector<1xf32>
          %add3A_507 = arith.constant 11 : i32
          %add3A_508 = arith.addi %add3A_281, %add3A_507 : i32
          %get3A_509 = arith.index_cast %add3A_508 : i32 to index
          %get3A_510 = arith.constant 0 : index
          %get3A_511 = tpu.vector_load %arg10[%get3A_509, %get3A_510] {strides = array<i32>} : memref<1600x32xf32, #tpu.memory_space<vmem>>, vector<1x16xf32>,
          %get3A_512 = vector.shape_cast %get3A_511 : vector<1x16xf32> to vector<16xf32>
          %mul3A_513 = vector.broadcast %squeeze3A_506 : f32 to vector<16xf32>
          %mul3A_514 = arith.mulf %get3A_512, %mul3A_513 : vector<16xf32>
          %add3A_515 = arith.addf %add3A_495, %mul3A_514 : vector<16xf32>
          %add3A_516 = arith.constant 11 : i32
          %add3A_517 = arith.addi %add3A_281, %add3A_516 : i32
          %get3A_518 = arith.index_cast %add3A_517 : i32 to index
          %get3A_519 = arith.constant 16 : index
          %get3A_520 = tpu.vector_load %arg10[%get3A_518, %get3A_519] {strides = array<i32>} : memref<1600x32xf32, #tpu.memory_space<vmem>>, vector<1x16xf32>,
          %get3A_521 = vector.shape_cast %get3A_520 : vector<1x16xf32> to vector<16xf32>
          %mul3A_522 = vector.broadcast %squeeze3A_506 : f32 to vector<16xf32>
          %mul3A_523 = arith.mulf %get3A_521, %mul3A_522 : vector<16xf32>
          %add3A_524 = arith.addf %add3A_504, %mul3A_523 : vector<16xf32>
          %slice3A_525 = vector.extract_strided_slice %get3A_284 {offsets = [12], sizes = [1], strides = [1]} : vector<16xf32> to vector<1xf32>
          %squeeze3A_526 = vector.extract %slice3A_525[0] : f32 from vector<1xf32>
          %add3A_527 = arith.constant 12 : i32
          %add3A_528 = arith.addi %add3A_281, %add3A_527 : i32
          %get3A_529 = arith.index_cast %add3A_528 : i32 to index
          %get3A_530 = arith.constant 0 : index
          %get3A_531 = tpu.vector_load %arg10[%get3A_529, %get3A_530] {strides = array<i32>} : memref<1600x32xf32, #tpu.memory_space<vmem>>, vector<1x16xf32>,
          %get3A_532 = vector.shape_cast %get3A_531 : vector<1x16xf32> to vector<16xf32>
          %mul3A_533 = vector.broadcast %squeeze3A_526 : f32 to vector<16xf32>
          %mul3A_534 = arith.mulf %get3A_532, %mul3A_533 : vector<16xf32>
          %add3A_535 = arith.addf %add3A_515, %mul3A_534 : vector<16xf32>
          %add3A_536 = arith.constant 12 : i32
          %add3A_537 = arith.addi %add3A_281, %add3A_536 : i32
          %get3A_538 = arith.index_cast %add3A_537 : i32 to index
          %get3A_539 = arith.constant 16 : index
          %get3A_540 = tpu.vector_load %arg10[%get3A_538, %get3A_539] {strides = array<i32>} : memref<1600x32xf32, #tpu.memory_space<vmem>>, vector<1x16xf32>,
          %get3A_541 = vector.shape_cast %get3A_540 : vector<1x16xf32> to vector<16xf32>
          %mul3A_542 = vector.broadcast %squeeze3A_526 : f32 to vector<16xf32>
          %mul3A_543 = arith.mulf %get3A_541, %mul3A_542 : vector<16xf32>
          %add3A_544 = arith.addf %add3A_524, %mul3A_543 : vector<16xf32>
          %slice3A_545 = vector.extract_strided_slice %get3A_284 {offsets = [13], sizes = [1], strides = [1]} : vector<16xf32> to vector<1xf32>
          %squeeze3A_546 = vector.extract %slice3A_545[0] : f32 from vector<1xf32>
          %add3A_547 = arith.constant 13 : i32
          %add3A_548 = arith.addi %add3A_281, %add3A_547 : i32
          %get3A_549 = arith.index_cast %add3A_548 : i32 to index
          %get3A_550 = arith.constant 0 : index
          %get3A_551 = tpu.vector_load %arg10[%get3A_549, %get3A_550] {strides = array<i32>} : memref<1600x32xf32, #tpu.memory_space<vmem>>, vector<1x16xf32>,
          %get3A_552 = vector.shape_cast %get3A_551 : vector<1x16xf32> to vector<16xf32>
          %mul3A_553 = vector.broadcast %squeeze3A_546 : f32 to vector<16xf32>
          %mul3A_554 = arith.mulf %get3A_552, %mul3A_553 : vector<16xf32>
          %add3A_555 = arith.addf %add3A_535, %mul3A_554 : vector<16xf32>
          %add3A_556 = arith.constant 13 : i32
          %add3A_557 = arith.addi %add3A_281, %add3A_556 : i32
          %get3A_558 = arith.index_cast %add3A_557 : i32 to index
          %get3A_559 = arith.constant 16 : index
          %get3A_560 = tpu.vector_load %arg10[%get3A_558, %get3A_559] {strides = array<i32>} : memref<1600x32xf32, #tpu.memory_space<vmem>>, vector<1x16xf32>,
          %get3A_561 = vector.shape_cast %get3A_560 : vector<1x16xf32> to vector<16xf32>
          %mul3A_562 = vector.broadcast %squeeze3A_546 : f32 to vector<16xf32>
          %mul3A_563 = arith.mulf %get3A_561, %mul3A_562 : vector<16xf32>
          %add3A_564 = arith.addf %add3A_544, %mul3A_563 : vector<16xf32>
          %slice3A_565 = vector.extract_strided_slice %get3A_284 {offsets = [14], sizes = [1], strides = [1]} : vector<16xf32> to vector<1xf32>
          %squeeze3A_566 = vector.extract %slice3A_565[0] : f32 from vector<1xf32>
          %add3A_567 = arith.constant 14 : i32
          %add3A_568 = arith.addi %add3A_281, %add3A_567 : i32
          %get3A_569 = arith.index_cast %add3A_568 : i32 to index
          %get3A_570 = arith.constant 0 : index
          %get3A_571 = tpu.vector_load %arg10[%get3A_569, %get3A_570] {strides = array<i32>} : memref<1600x32xf32, #tpu.memory_space<vmem>>, vector<1x16xf32>,
          %get3A_572 = vector.shape_cast %get3A_571 : vector<1x16xf32> to vector<16xf32>
          %mul3A_573 = vector.broadcast %squeeze3A_566 : f32 to vector<16xf32>
          %mul3A_574 = arith.mulf %get3A_572, %mul3A_573 : vector<16xf32>
          %add3A_575 = arith.addf %add3A_555, %mul3A_574 : vector<16xf32>
          %add3A_576 = arith.constant 14 : i32
          %add3A_577 = arith.addi %add3A_281, %add3A_576 : i32
          %get3A_578 = arith.index_cast %add3A_577 : i32 to index
          %get3A_579 = arith.constant 16 : index
          %get3A_580 = tpu.vector_load %arg10[%get3A_578, %get3A_579] {strides = array<i32>} : memref<1600x32xf32, #tpu.memory_space<vmem>>, vector<1x16xf32>,
          %get3A_581 = vector.shape_cast %get3A_580 : vector<1x16xf32> to vector<16xf32>
          %mul3A_582 = vector.broadcast %squeeze3A_566 : f32 to vector<16xf32>
          %mul3A_583 = arith.mulf %get3A_581, %mul3A_582 : vector<16xf32>
          %add3A_584 = arith.addf %add3A_564, %mul3A_583 : vector<16xf32>
          %slice3A_585 = vector.extract_strided_slice %get3A_284 {offsets = [15], sizes = [1], strides = [1]} : vector<16xf32> to vector<1xf32>
          %squeeze3A_586 = vector.extract %slice3A_585[0] : f32 from vector<1xf32>
          %add3A_587 = arith.constant 15 : i32
          %add3A_588 = arith.addi %add3A_281, %add3A_587 : i32
          %get3A_589 = arith.index_cast %add3A_588 : i32 to index
          %get3A_590 = arith.constant 0 : index
          %get3A_591 = tpu.vector_load %arg10[%get3A_589, %get3A_590] {strides = array<i32>} : memref<1600x32xf32, #tpu.memory_space<vmem>>, vector<1x16xf32>,
          %get3A_592 = vector.shape_cast %get3A_591 : vector<1x16xf32> to vector<16xf32>
          %mul3A_593 = vector.broadcast %squeeze3A_586 : f32 to vector<16xf32>
          %mul3A_594 = arith.mulf %get3A_592, %mul3A_593 : vector<16xf32>
          %add3A_595 = arith.addf %add3A_575, %mul3A_594 : vector<16xf32>
          %add3A_596 = arith.constant 15 : i32
          %add3A_597 = arith.addi %add3A_281, %add3A_596 : i32
          %get3A_598 = arith.index_cast %add3A_597 : i32 to index
          %get3A_599 = arith.constant 16 : index
          %get3A_600 = tpu.vector_load %arg10[%get3A_598, %get3A_599] {strides = array<i32>} : memref<1600x32xf32, #tpu.memory_space<vmem>>, vector<1x16xf32>,
          %get3A_601 = vector.shape_cast %get3A_600 : vector<1x16xf32> to vector<16xf32>
          %mul3A_602 = vector.broadcast %squeeze3A_586 : f32 to vector<16xf32>
          %mul3A_603 = arith.mulf %get3A_601, %mul3A_602 : vector<16xf32>
          %add3A_604 = arith.addf %add3A_584, %mul3A_603 : vector<16xf32>
          scf.yield %add3A_595, %add3A_604 : vector<16xf32>, vector<16xf32>
        }
        %scan3A_96 = arith.constant 12 : i32
        %add3A_97 = arith.constant 200 : i32
        %add3A_98 = arith.addi %mul3A_89, %add3A_97 : i32
        %sub3A = arith.constant 16 : i32
        %sub3A_99 = arith.subi %add3A_98, %sub3A : i32
        %get3A = arith.index_cast %sub3A_99 : i32 to index
        %get3A_100 = tpu.vector_load %arg8[%get3A] {strides = array<i32>} : memref<1600xf32, #tpu.memory_space<vmem>>, vector<16xf32>,
        %get3A_101 = vector.shape_cast %get3A_100 : vector<16xf32> to vector<16xf32>
        %slice3A = vector.extract_strided_slice %get3A_101 {offsets = [8], sizes = [1], strides = [1]} : vector<16xf32> to vector<1xf32>
        %squeeze3A = vector.extract %slice3A[0] : f32 from vector<1xf32>
        %add3A_102 = arith.constant 8 : i32
        %add3A_103 = arith.addi %sub3A_99, %add3A_102 : i32
        %get3A_104 = arith.index_cast %add3A_103 : i32 to index
        %get3A_105 = arith.constant 0 : index
        %get3A_106 = tpu.vector_load %arg10[%get3A_104, %get3A_105] {strides = array<i32>} : memref<1600x32xf32, #tpu.memory_space<vmem>>, vector<1x16xf32>,
        %get3A_107 = vector.shape_cast %get3A_106 : vector<1x16xf32> to vector<16xf32>
        %mul3A_108 = vector.broadcast %squeeze3A : f32 to vector<16xf32>
        %mul3A_109 = arith.mulf %get3A_107, %mul3A_108 : vector<16xf32>
        %add3A_110 = arith.addf %scan3A_95#0, %mul3A_109 : vector<16xf32>
        %add3A_111 = arith.constant 8 : i32
        %add3A_112 = arith.addi %sub3A_99, %add3A_111 : i32
        %get3A_113 = arith.index_cast %add3A_112 : i32 to index
        %get3A_114 = arith.constant 16 : index
        %get3A_115 = tpu.vector_load %arg10[%get3A_113, %get3A_114] {strides = array<i32>} : memref<1600x32xf32, #tpu.memory_space<vmem>>, vector<1x16xf32>,
        %get3A_116 = vector.shape_cast %get3A_115 : vector<1x16xf32> to vector<16xf32>
        %mul3A_117 = vector.broadcast %squeeze3A : f32 to vector<16xf32>
        %mul3A_118 = arith.mulf %get3A_116, %mul3A_117 : vector<16xf32>
        %add3A_119 = arith.addf %scan3A_95#1, %mul3A_118 : vector<16xf32>
        %slice3A_120 = vector.extract_strided_slice %get3A_101 {offsets = [9], sizes = [1], strides = [1]} : vector<16xf32> to vector<1xf32>
        %squeeze3A_121 = vector.extract %slice3A_120[0] : f32 from vector<1xf32>
        %add3A_122 = arith.constant 9 : i32
        %add3A_123 = arith.addi %sub3A_99, %add3A_122 : i32
        %get3A_124 = arith.index_cast %add3A_123 : i32 to index
        %get3A_125 = arith.constant 0 : index
        %get3A_126 = tpu.vector_load %arg10[%get3A_124, %get3A_125] {strides = array<i32>} : memref<1600x32xf32, #tpu.memory_space<vmem>>, vector<1x16xf32>,
        %get3A_127 = vector.shape_cast %get3A_126 : vector<1x16xf32> to vector<16xf32>
        %mul3A_128 = vector.broadcast %squeeze3A_121 : f32 to vector<16xf32>
        %mul3A_129 = arith.mulf %get3A_127, %mul3A_128 : vector<16xf32>
        %add3A_130 = arith.addf %add3A_110, %mul3A_129 : vector<16xf32>
        %add3A_131 = arith.constant 9 : i32
        %add3A_132 = arith.addi %sub3A_99, %add3A_131 : i32
        %get3A_133 = arith.index_cast %add3A_132 : i32 to index
        %get3A_134 = arith.constant 16 : index
        %get3A_135 = tpu.vector_load %arg10[%get3A_133, %get3A_134] {strides = array<i32>} : memref<1600x32xf32, #tpu.memory_space<vmem>>, vector<1x16xf32>,
        %get3A_136 = vector.shape_cast %get3A_135 : vector<1x16xf32> to vector<16xf32>
        %mul3A_137 = vector.broadcast %squeeze3A_121 : f32 to vector<16xf32>
        %mul3A_138 = arith.mulf %get3A_136, %mul3A_137 : vector<16xf32>
        %add3A_139 = arith.addf %add3A_119, %mul3A_138 : vector<16xf32>
        %slice3A_140 = vector.extract_strided_slice %get3A_101 {offsets = [10], sizes = [1], strides = [1]} : vector<16xf32> to vector<1xf32>
        %squeeze3A_141 = vector.extract %slice3A_140[0] : f32 from vector<1xf32>
        %add3A_142 = arith.constant 10 : i32
        %add3A_143 = arith.addi %sub3A_99, %add3A_142 : i32
        %get3A_144 = arith.index_cast %add3A_143 : i32 to index
        %get3A_145 = arith.constant 0 : index
        %get3A_146 = tpu.vector_load %arg10[%get3A_144, %get3A_145] {strides = array<i32>} : memref<1600x32xf32, #tpu.memory_space<vmem>>, vector<1x16xf32>,
        %get3A_147 = vector.shape_cast %get3A_146 : vector<1x16xf32> to vector<16xf32>
        %mul3A_148 = vector.broadcast %squeeze3A_141 : f32 to vector<16xf32>
        %mul3A_149 = arith.mulf %get3A_147, %mul3A_148 : vector<16xf32>
        %add3A_150 = arith.addf %add3A_130, %mul3A_149 : vector<16xf32>
        %add3A_151 = arith.constant 10 : i32
        %add3A_152 = arith.addi %sub3A_99, %add3A_151 : i32
        %get3A_153 = arith.index_cast %add3A_152 : i32 to index
        %get3A_154 = arith.constant 16 : index
        %get3A_155 = tpu.vector_load %arg10[%get3A_153, %get3A_154] {strides = array<i32>} : memref<1600x32xf32, #tpu.memory_space<vmem>>, vector<1x16xf32>,
        %get3A_156 = vector.shape_cast %get3A_155 : vector<1x16xf32> to vector<16xf32>
        %mul3A_157 = vector.broadcast %squeeze3A_141 : f32 to vector<16xf32>
        %mul3A_158 = arith.mulf %get3A_156, %mul3A_157 : vector<16xf32>
        %add3A_159 = arith.addf %add3A_139, %mul3A_158 : vector<16xf32>
        %slice3A_160 = vector.extract_strided_slice %get3A_101 {offsets = [11], sizes = [1], strides = [1]} : vector<16xf32> to vector<1xf32>
        %squeeze3A_161 = vector.extract %slice3A_160[0] : f32 from vector<1xf32>
        %add3A_162 = arith.constant 11 : i32
        %add3A_163 = arith.addi %sub3A_99, %add3A_162 : i32
        %get3A_164 = arith.index_cast %add3A_163 : i32 to index
        %get3A_165 = arith.constant 0 : index
        %get3A_166 = tpu.vector_load %arg10[%get3A_164, %get3A_165] {strides = array<i32>} : memref<1600x32xf32, #tpu.memory_space<vmem>>, vector<1x16xf32>,
        %get3A_167 = vector.shape_cast %get3A_166 : vector<1x16xf32> to vector<16xf32>
        %mul3A_168 = vector.broadcast %squeeze3A_161 : f32 to vector<16xf32>
        %mul3A_169 = arith.mulf %get3A_167, %mul3A_168 : vector<16xf32>
        %add3A_170 = arith.addf %add3A_150, %mul3A_169 : vector<16xf32>
        %add3A_171 = arith.constant 11 : i32
        %add3A_172 = arith.addi %sub3A_99, %add3A_171 : i32
        %get3A_173 = arith.index_cast %add3A_172 : i32 to index
        %get3A_174 = arith.constant 16 : index
        %get3A_175 = tpu.vector_load %arg10[%get3A_173, %get3A_174] {strides = array<i32>} : memref<1600x32xf32, #tpu.memory_space<vmem>>, vector<1x16xf32>,
        %get3A_176 = vector.shape_cast %get3A_175 : vector<1x16xf32> to vector<16xf32>
        %mul3A_177 = vector.broadcast %squeeze3A_161 : f32 to vector<16xf32>
        %mul3A_178 = arith.mulf %get3A_176, %mul3A_177 : vector<16xf32>
        %add3A_179 = arith.addf %add3A_159, %mul3A_178 : vector<16xf32>
        %slice3A_180 = vector.extract_strided_slice %get3A_101 {offsets = [12], sizes = [1], strides = [1]} : vector<16xf32> to vector<1xf32>
        %squeeze3A_181 = vector.extract %slice3A_180[0] : f32 from vector<1xf32>
        %add3A_182 = arith.constant 12 : i32
        %add3A_183 = arith.addi %sub3A_99, %add3A_182 : i32
        %get3A_184 = arith.index_cast %add3A_183 : i32 to index
        %get3A_185 = arith.constant 0 : index
        %get3A_186 = tpu.vector_load %arg10[%get3A_184, %get3A_185] {strides = array<i32>} : memref<1600x32xf32, #tpu.memory_space<vmem>>, vector<1x16xf32>,
        %get3A_187 = vector.shape_cast %get3A_186 : vector<1x16xf32> to vector<16xf32>
        %mul3A_188 = vector.broadcast %squeeze3A_181 : f32 to vector<16xf32>
        %mul3A_189 = arith.mulf %get3A_187, %mul3A_188 : vector<16xf32>
        %add3A_190 = arith.addf %add3A_170, %mul3A_189 : vector<16xf32>
        %add3A_191 = arith.constant 12 : i32
        %add3A_192 = arith.addi %sub3A_99, %add3A_191 : i32
        %get3A_193 = arith.index_cast %add3A_192 : i32 to index
        %get3A_194 = arith.constant 16 : index
        %get3A_195 = tpu.vector_load %arg10[%get3A_193, %get3A_194] {strides = array<i32>} : memref<1600x32xf32, #tpu.memory_space<vmem>>, vector<1x16xf32>,
        %get3A_196 = vector.shape_cast %get3A_195 : vector<1x16xf32> to vector<16xf32>
        %mul3A_197 = vector.broadcast %squeeze3A_181 : f32 to vector<16xf32>
        %mul3A_198 = arith.mulf %get3A_196, %mul3A_197 : vector<16xf32>
        %add3A_199 = arith.addf %add3A_179, %mul3A_198 : vector<16xf32>
        %slice3A_200 = vector.extract_strided_slice %get3A_101 {offsets = [13], sizes = [1], strides = [1]} : vector<16xf32> to vector<1xf32>
        %squeeze3A_201 = vector.extract %slice3A_200[0] : f32 from vector<1xf32>
        %add3A_202 = arith.constant 13 : i32
        %add3A_203 = arith.addi %sub3A_99, %add3A_202 : i32
        %get3A_204 = arith.index_cast %add3A_203 : i32 to index
        %get3A_205 = arith.constant 0 : index
        %get3A_206 = tpu.vector_load %arg10[%get3A_204, %get3A_205] {strides = array<i32>} : memref<1600x32xf32, #tpu.memory_space<vmem>>, vector<1x16xf32>,
        %get3A_207 = vector.shape_cast %get3A_206 : vector<1x16xf32> to vector<16xf32>
        %mul3A_208 = vector.broadcast %squeeze3A_201 : f32 to vector<16xf32>
        %mul3A_209 = arith.mulf %get3A_207, %mul3A_208 : vector<16xf32>
        %add3A_210 = arith.addf %add3A_190, %mul3A_209 : vector<16xf32>
        %add3A_211 = arith.constant 13 : i32
        %add3A_212 = arith.addi %sub3A_99, %add3A_211 : i32
        %get3A_213 = arith.index_cast %add3A_212 : i32 to index
        %get3A_214 = arith.constant 16 : index
        %get3A_215 = tpu.vector_load %arg10[%get3A_213, %get3A_214] {strides = array<i32>} : memref<1600x32xf32, #tpu.memory_space<vmem>>, vector<1x16xf32>,
        %get3A_216 = vector.shape_cast %get3A_215 : vector<1x16xf32> to vector<16xf32>
        %mul3A_217 = vector.broadcast %squeeze3A_201 : f32 to vector<16xf32>
        %mul3A_218 = arith.mulf %get3A_216, %mul3A_217 : vector<16xf32>
        %add3A_219 = arith.addf %add3A_199, %mul3A_218 : vector<16xf32>
        %slice3A_220 = vector.extract_strided_slice %get3A_101 {offsets = [14], sizes = [1], strides = [1]} : vector<16xf32> to vector<1xf32>
        %squeeze3A_221 = vector.extract %slice3A_220[0] : f32 from vector<1xf32>
        %add3A_222 = arith.constant 14 : i32
        %add3A_223 = arith.addi %sub3A_99, %add3A_222 : i32
        %get3A_224 = arith.index_cast %add3A_223 : i32 to index
        %get3A_225 = arith.constant 0 : index
        %get3A_226 = tpu.vector_load %arg10[%get3A_224, %get3A_225] {strides = array<i32>} : memref<1600x32xf32, #tpu.memory_space<vmem>>, vector<1x16xf32>,
        %get3A_227 = vector.shape_cast %get3A_226 : vector<1x16xf32> to vector<16xf32>
        %mul3A_228 = vector.broadcast %squeeze3A_221 : f32 to vector<16xf32>
        %mul3A_229 = arith.mulf %get3A_227, %mul3A_228 : vector<16xf32>
        %add3A_230 = arith.addf %add3A_210, %mul3A_229 : vector<16xf32>
        %add3A_231 = arith.constant 14 : i32
        %add3A_232 = arith.addi %sub3A_99, %add3A_231 : i32
        %get3A_233 = arith.index_cast %add3A_232 : i32 to index
        %get3A_234 = arith.constant 16 : index
        %get3A_235 = tpu.vector_load %arg10[%get3A_233, %get3A_234] {strides = array<i32>} : memref<1600x32xf32, #tpu.memory_space<vmem>>, vector<1x16xf32>,
        %get3A_236 = vector.shape_cast %get3A_235 : vector<1x16xf32> to vector<16xf32>
        %mul3A_237 = vector.broadcast %squeeze3A_221 : f32 to vector<16xf32>
        %mul3A_238 = arith.mulf %get3A_236, %mul3A_237 : vector<16xf32>
        %add3A_239 = arith.addf %add3A_219, %mul3A_238 : vector<16xf32>
        %slice3A_240 = vector.extract_strided_slice %get3A_101 {offsets = [15], sizes = [1], strides = [1]} : vector<16xf32> to vector<1xf32>
        %squeeze3A_241 = vector.extract %slice3A_240[0] : f32 from vector<1xf32>
        %add3A_242 = arith.constant 15 : i32
        %add3A_243 = arith.addi %sub3A_99, %add3A_242 : i32
        %get3A_244 = arith.index_cast %add3A_243 : i32 to index
        %get3A_245 = arith.constant 0 : index
        %get3A_246 = tpu.vector_load %arg10[%get3A_244, %get3A_245] {strides = array<i32>} : memref<1600x32xf32, #tpu.memory_space<vmem>>, vector<1x16xf32>,
        %get3A_247 = vector.shape_cast %get3A_246 : vector<1x16xf32> to vector<16xf32>
        %mul3A_248 = vector.broadcast %squeeze3A_241 : f32 to vector<16xf32>
        %mul3A_249 = arith.mulf %get3A_247, %mul3A_248 : vector<16xf32>
        %add3A_250 = arith.addf %add3A_230, %mul3A_249 : vector<16xf32>
        %add3A_251 = arith.constant 15 : i32
        %add3A_252 = arith.addi %sub3A_99, %add3A_251 : i32
        %get3A_253 = arith.index_cast %add3A_252 : i32 to index
        %get3A_254 = arith.constant 16 : index
        %get3A_255 = tpu.vector_load %arg10[%get3A_253, %get3A_254] {strides = array<i32>} : memref<1600x32xf32, #tpu.memory_space<vmem>>, vector<1x16xf32>,
        %get3A_256 = vector.shape_cast %get3A_255 : vector<1x16xf32> to vector<16xf32>
        %mul3A_257 = vector.broadcast %squeeze3A_241 : f32 to vector<16xf32>
        %mul3A_258 = arith.mulf %get3A_256, %mul3A_257 : vector<16xf32>
        %add3A_259 = arith.addf %add3A_239, %mul3A_258 : vector<16xf32>
        %mul3A_260 = arith.constant 8 : i32
        %mul3A_261 = arith.muli %add3A_35, %mul3A_260 : i32
        %add3A_262 = arith.addi %mul3A_261, %scan3A_86 : i32
        %swap3A = arith.index_cast %add3A_262 : i32 to index
        %swap3A_263 = arith.constant 0 : index
        %swap3A_264 = tpu.vector_load %arg12[%swap3A, %swap3A_263] {strides = array<i32>} : memref<512x32xf32, #tpu.memory_space<vmem>>, vector<1x16xf32>,
        %swap3A_265 = vector.shape_cast %swap3A_264 : vector<1x16xf32> to vector<16xf32>
        %swap3A_266 = vector.shape_cast %add3A_250 : vector<16xf32> to vector<1x16xf32>
        tpu.vector_store %arg12[%swap3A, %swap3A_263], %swap3A_266 {strides = array<i32>} : memref<512x32xf32, #tpu.memory_space<vmem>>, vector<1x16xf32>,
        %mul3A_267 = arith.constant 8 : i32
        %mul3A_268 = arith.muli %add3A_35, %mul3A_267 : i32
        %add3A_269 = arith.addi %mul3A_268, %scan3A_86 : i32
        %swap3A_270 = arith.index_cast %add3A_269 : i32 to index
        %swap3A_271 = arith.constant 16 : index
        %swap3A_272 = tpu.vector_load %arg12[%swap3A_270, %swap3A_271] {strides = array<i32>} : memref<512x32xf32, #tpu.memory_space<vmem>>, vector<1x16xf32>,
        %swap3A_273 = vector.shape_cast %swap3A_272 : vector<1x16xf32> to vector<16xf32>
        %swap3A_274 = vector.shape_cast %add3A_259 : vector<16xf32> to vector<1x16xf32>
        tpu.vector_store %arg12[%swap3A_270, %swap3A_271], %swap3A_274 {strides = array<i32>} : memref<512x32xf32, #tpu.memory_space<vmem>>, vector<1x16xf32>,
        %scan3A_275 = arith.constant 0 : i32
        scf.yield %scan3A_275 : i32
      }
      %scan3A_49 = arith.constant 8 : i32
      %add3A_50 = arith.constant 2 : i32
      %add3A_51 = arith.addi %add3A_35, %add3A_50 : i32
      %lt3A_52 = arith.constant 64 : i32
      %lt3A_53 = arith.cmpi slt, %add3A_51, %lt3A_52 : i32
      %convert_element_type3A_54 = arith.extui %lt3A_53 : i1 to i32
      %cond3A_55 = arith.constant 0 : i32
      %cond3A_56 = arith.cmpi ne, %convert_element_type3A_54, %cond3A_55 : i32
      scf.if %cond3A_56 {
        %add3A_86 = arith.constant 2 : i32
        %add3A_87 = arith.addi %add3A_35, %add3A_86 : i32
        %mul3A_88 = arith.constant 1600 : i32
        %mul3A_89 = arith.muli %add3A_87, %mul3A_88 : i32
        %add3A_90 = arith.addi %mul3A_2, %mul3A_89 : i32
        %dma_start3A_91 = tpu.memref_slice %arg2[%add3A_90] : memref<3276800xi32, #tpu.memory_space<hbm>> -> memref<1600xi32, #tpu.memory_space<hbm>>
        %dma_start3A_92 = tpu.memref_slice %arg2[%add3A_90] : memref<3276800xi32, #tpu.memory_space<hbm>> -> memref<1600xi32, #tpu.memory_space<hbm>>
        tpu.enqueue_dma source(%dma_start3A_92 : memref<1600xi32, #tpu.memory_space<hbm>>) target(%arg6 : memref<1600xi32, #tpu.memory_space<vmem>>) target_semaphore(%arg13 : memref<!tpu.dma_semaphore, #tpu.memory_space<semaphore_mem>>)
        %dma_start3A_93 = tpu.memref_slice %arg3[%add3A_90] : memref<3276800xf32, #tpu.memory_space<hbm>> -> memref<1600xf32, #tpu.memory_space<hbm>>
        %dma_start3A_94 = tpu.memref_slice %arg3[%add3A_90] : memref<3276800xf32, #tpu.memory_space<hbm>> -> memref<1600xf32, #tpu.memory_space<hbm>>
        tpu.enqueue_dma source(%dma_start3A_94 : memref<1600xf32, #tpu.memory_space<hbm>>) target(%arg8 : memref<1600xf32, #tpu.memory_space<vmem>>) target_semaphore(%arg13 : memref<!tpu.dma_semaphore, #tpu.memory_space<semaphore_mem>>)
      } else {
      }
      %mul3A_57 = arith.constant 2 : i32
      %mul3A_58 = arith.muli %scan3A_30, %mul3A_57 : i32
      %add3A_59 = arith.constant 1 : i32
      %add3A_60 = arith.addi %mul3A_58, %add3A_59 : i32
      %dma_wait3A_61 = arith.constant 0 : i32
      %dma_wait3A_62 = arith.constant 0 : i32
      %dma_wait3A_63 = tpu.memref_slice %arg4[%dma_wait3A_61, %dma_wait3A_62] : memref<1000000x32xf32, #tpu.memory_space<hbm>> -> memref<1000000x32xf32, #tpu.memory_space<hbm>>
      tpu.wait_indirect_dma semaphore(%arg16 : memref<!tpu.dma_semaphore, #tpu.memory_space<semaphore_mem>>) src(%dma_wait3A_63 : memref<1000000x32xf32, #tpu.memory_space<hbm>>) dst(%arg11 : memref<1600x32xf32, #tpu.memory_space<vmem>>)
      %add3A_64 = arith.constant 1 : i32
      %add3A_65 = arith.addi %add3A_60, %add3A_64 : i32
      %lt3A_66 = arith.constant 64 : i32
      %lt3A_67 = arith.cmpi slt, %add3A_65, %lt3A_66 : i32
      %convert_element_type3A_68 = arith.extui %lt3A_67 : i1 to i32
      %cond3A_69 = arith.constant 0 : i32
      %cond3A_70 = arith.cmpi ne, %convert_element_type3A_68, %cond3A_69 : i32
      scf.if %cond3A_70 {
        %add3A_86 = arith.constant 1 : i32
        %add3A_87 = arith.addi %add3A_60, %add3A_86 : i32
        %mul3A_88 = arith.constant 1600 : i32
        %mul3A_89 = arith.muli %add3A_87, %mul3A_88 : i32
        %add3A_90 = arith.addi %mul3A_2, %mul3A_89 : i32
        %dma_wait3A_91 = tpu.memref_slice %arg2[%add3A_90] : memref<3276800xi32, #tpu.memory_space<hbm>> -> memref<1600xi32, #tpu.memory_space<hbm>>
        %dma_wait3A_92 = tpu.memref_slice %arg2[%add3A_90] : memref<3276800xi32, #tpu.memory_space<hbm>> -> memref<1600xi32, #tpu.memory_space<hbm>>
        tpu.wait_dma2 semaphore(%arg13 : memref<!tpu.dma_semaphore, #tpu.memory_space<semaphore_mem>>) src(%dma_wait3A_92 : memref<1600xi32, #tpu.memory_space<hbm>>) dst(%arg6 : memref<1600xi32, #tpu.memory_space<vmem>>)
        %dma_wait3A_93 = tpu.memref_slice %arg3[%add3A_90] : memref<3276800xf32, #tpu.memory_space<hbm>> -> memref<1600xf32, #tpu.memory_space<hbm>>
        %dma_wait3A_94 = tpu.memref_slice %arg3[%add3A_90] : memref<3276800xf32, #tpu.memory_space<hbm>> -> memref<1600xf32, #tpu.memory_space<hbm>>
        tpu.wait_dma2 semaphore(%arg13 : memref<!tpu.dma_semaphore, #tpu.memory_space<semaphore_mem>>) src(%dma_wait3A_94 : memref<1600xf32, #tpu.memory_space<hbm>>) dst(%arg8 : memref<1600xf32, #tpu.memory_space<vmem>>)
        %dma_start3A_95 = arith.constant 0 : i32
        %dma_start3A_96 = arith.constant 0 : i32
        %dma_start3A_97 = tpu.memref_slice %arg4[%dma_start3A_95, %dma_start3A_96] : memref<1000000x32xf32, #tpu.memory_space<hbm>> -> memref<1000000x32xf32, #tpu.memory_space<hbm>>
        tpu.enqueue_indirect_dma source(%dma_start3A_97 : memref<1000000x32xf32, #tpu.memory_space<hbm>>) target(%arg10 : memref<1600x32xf32, #tpu.memory_space<vmem>>) offsets(%arg6 : memref<1600xi32, #tpu.memory_space<vmem>>) semaphore(%arg15 : memref<!tpu.dma_semaphore, #tpu.memory_space<semaphore_mem>>)
      } else {
      }
      %scan3A_71 = arith.constant 0 : i32
      %scan3A_72 = arith.constant 0 : i32
      %scan3A_73 = arith.constant 8 : i32
      %scan3A_74 = arith.addi %scan3A_72, %scan3A_73 : i32
      %scan3A_75 = arith.constant 1 : i32
      %scan3A_76 = scf.for %scan3A_86 = %scan3A_72 to %scan3A_74 step %scan3A_75 iter_args(%scan3A_87 = %scan3A_71) -> (i32)  : i32 {
        %mul3A_88 = arith.constant 200 : i32
        %mul3A_89 = arith.muli %scan3A_86, %mul3A_88 : i32
        %broadcast_in_dim3A = arith.constant 0.000000e+00 : f32
        %broadcast_in_dim3A_90 = vector.broadcast %broadcast_in_dim3A : f32 to vector<16xf32>
        %scan3A_91 = arith.constant 0 : i32
        %scan3A_92 = arith.constant 12 : i32
        %scan3A_93 = arith.addi %scan3A_91, %scan3A_92 : i32
        %scan3A_94 = arith.constant 1 : i32
        %scan3A_95:2 = scf.for %scan3A_276 = %scan3A_91 to %scan3A_93 step %scan3A_94 iter_args(%scan3A_277 = %broadcast_in_dim3A_90, %scan3A_278 = %broadcast_in_dim3A_90) -> (vector<16xf32>, vector<16xf32>)  : i32 {
          %mul3A_279 = arith.constant 16 : i32
          %mul3A_280 = arith.muli %scan3A_276, %mul3A_279 : i32
          %add3A_281 = arith.addi %mul3A_89, %mul3A_280 : i32
          %get3A_282 = arith.index_cast %add3A_281 : i32 to index
          %get3A_283 = tpu.vector_load %arg9[%get3A_282] {strides = array<i32>} : memref<1600xf32, #tpu.memory_space<vmem>>, vector<16xf32>,
          %get3A_284 = vector.shape_cast %get3A_283 : vector<16xf32> to vector<16xf32>
          %slice3A_285 = vector.extract_strided_slice %get3A_284 {offsets = [0], sizes = [1], strides = [1]} : vector<16xf32> to vector<1xf32>
          %squeeze3A_286 = vector.extract %slice3A_285[0] : f32 from vector<1xf32>
          %add3A_287 = arith.constant 0 : i32
          %add3A_288 = arith.addi %add3A_281, %add3A_287 : i32
          %get3A_289 = arith.index_cast %add3A_288 : i32 to index
          %get3A_290 = arith.constant 0 : index
          %get3A_291 = tpu.vector_load %arg11[%get3A_289, %get3A_290] {strides = array<i32>} : memref<1600x32xf32, #tpu.memory_space<vmem>>, vector<1x16xf32>,
          %get3A_292 = vector.shape_cast %get3A_291 : vector<1x16xf32> to vector<16xf32>
          %mul3A_293 = vector.broadcast %squeeze3A_286 : f32 to vector<16xf32>
          %mul3A_294 = arith.mulf %get3A_292, %mul3A_293 : vector<16xf32>
          %add3A_295 = arith.addf %scan3A_277, %mul3A_294 : vector<16xf32>
          %add3A_296 = arith.constant 0 : i32
          %add3A_297 = arith.addi %add3A_281, %add3A_296 : i32
          %get3A_298 = arith.index_cast %add3A_297 : i32 to index
          %get3A_299 = arith.constant 16 : index
          %get3A_300 = tpu.vector_load %arg11[%get3A_298, %get3A_299] {strides = array<i32>} : memref<1600x32xf32, #tpu.memory_space<vmem>>, vector<1x16xf32>,
          %get3A_301 = vector.shape_cast %get3A_300 : vector<1x16xf32> to vector<16xf32>
          %mul3A_302 = vector.broadcast %squeeze3A_286 : f32 to vector<16xf32>
          %mul3A_303 = arith.mulf %get3A_301, %mul3A_302 : vector<16xf32>
          %add3A_304 = arith.addf %scan3A_278, %mul3A_303 : vector<16xf32>
          %slice3A_305 = vector.extract_strided_slice %get3A_284 {offsets = [1], sizes = [1], strides = [1]} : vector<16xf32> to vector<1xf32>
          %squeeze3A_306 = vector.extract %slice3A_305[0] : f32 from vector<1xf32>
          %add3A_307 = arith.constant 1 : i32
          %add3A_308 = arith.addi %add3A_281, %add3A_307 : i32
          %get3A_309 = arith.index_cast %add3A_308 : i32 to index
          %get3A_310 = arith.constant 0 : index
          %get3A_311 = tpu.vector_load %arg11[%get3A_309, %get3A_310] {strides = array<i32>} : memref<1600x32xf32, #tpu.memory_space<vmem>>, vector<1x16xf32>,
          %get3A_312 = vector.shape_cast %get3A_311 : vector<1x16xf32> to vector<16xf32>
          %mul3A_313 = vector.broadcast %squeeze3A_306 : f32 to vector<16xf32>
          %mul3A_314 = arith.mulf %get3A_312, %mul3A_313 : vector<16xf32>
          %add3A_315 = arith.addf %add3A_295, %mul3A_314 : vector<16xf32>
          %add3A_316 = arith.constant 1 : i32
          %add3A_317 = arith.addi %add3A_281, %add3A_316 : i32
          %get3A_318 = arith.index_cast %add3A_317 : i32 to index
          %get3A_319 = arith.constant 16 : index
          %get3A_320 = tpu.vector_load %arg11[%get3A_318, %get3A_319] {strides = array<i32>} : memref<1600x32xf32, #tpu.memory_space<vmem>>, vector<1x16xf32>,
          %get3A_321 = vector.shape_cast %get3A_320 : vector<1x16xf32> to vector<16xf32>
          %mul3A_322 = vector.broadcast %squeeze3A_306 : f32 to vector<16xf32>
          %mul3A_323 = arith.mulf %get3A_321, %mul3A_322 : vector<16xf32>
          %add3A_324 = arith.addf %add3A_304, %mul3A_323 : vector<16xf32>
          %slice3A_325 = vector.extract_strided_slice %get3A_284 {offsets = [2], sizes = [1], strides = [1]} : vector<16xf32> to vector<1xf32>
          %squeeze3A_326 = vector.extract %slice3A_325[0] : f32 from vector<1xf32>
          %add3A_327 = arith.constant 2 : i32
          %add3A_328 = arith.addi %add3A_281, %add3A_327 : i32
          %get3A_329 = arith.index_cast %add3A_328 : i32 to index
          %get3A_330 = arith.constant 0 : index
          %get3A_331 = tpu.vector_load %arg11[%get3A_329, %get3A_330] {strides = array<i32>} : memref<1600x32xf32, #tpu.memory_space<vmem>>, vector<1x16xf32>,
          %get3A_332 = vector.shape_cast %get3A_331 : vector<1x16xf32> to vector<16xf32>
          %mul3A_333 = vector.broadcast %squeeze3A_326 : f32 to vector<16xf32>
          %mul3A_334 = arith.mulf %get3A_332, %mul3A_333 : vector<16xf32>
          %add3A_335 = arith.addf %add3A_315, %mul3A_334 : vector<16xf32>
          %add3A_336 = arith.constant 2 : i32
          %add3A_337 = arith.addi %add3A_281, %add3A_336 : i32
          %get3A_338 = arith.index_cast %add3A_337 : i32 to index
          %get3A_339 = arith.constant 16 : index
          %get3A_340 = tpu.vector_load %arg11[%get3A_338, %get3A_339] {strides = array<i32>} : memref<1600x32xf32, #tpu.memory_space<vmem>>, vector<1x16xf32>,
          %get3A_341 = vector.shape_cast %get3A_340 : vector<1x16xf32> to vector<16xf32>
          %mul3A_342 = vector.broadcast %squeeze3A_326 : f32 to vector<16xf32>
          %mul3A_343 = arith.mulf %get3A_341, %mul3A_342 : vector<16xf32>
          %add3A_344 = arith.addf %add3A_324, %mul3A_343 : vector<16xf32>
          %slice3A_345 = vector.extract_strided_slice %get3A_284 {offsets = [3], sizes = [1], strides = [1]} : vector<16xf32> to vector<1xf32>
          %squeeze3A_346 = vector.extract %slice3A_345[0] : f32 from vector<1xf32>
          %add3A_347 = arith.constant 3 : i32
          %add3A_348 = arith.addi %add3A_281, %add3A_347 : i32
          %get3A_349 = arith.index_cast %add3A_348 : i32 to index
          %get3A_350 = arith.constant 0 : index
          %get3A_351 = tpu.vector_load %arg11[%get3A_349, %get3A_350] {strides = array<i32>} : memref<1600x32xf32, #tpu.memory_space<vmem>>, vector<1x16xf32>,
          %get3A_352 = vector.shape_cast %get3A_351 : vector<1x16xf32> to vector<16xf32>
          %mul3A_353 = vector.broadcast %squeeze3A_346 : f32 to vector<16xf32>
          %mul3A_354 = arith.mulf %get3A_352, %mul3A_353 : vector<16xf32>
          %add3A_355 = arith.addf %add3A_335, %mul3A_354 : vector<16xf32>
          %add3A_356 = arith.constant 3 : i32
          %add3A_357 = arith.addi %add3A_281, %add3A_356 : i32
          %get3A_358 = arith.index_cast %add3A_357 : i32 to index
          %get3A_359 = arith.constant 16 : index
          %get3A_360 = tpu.vector_load %arg11[%get3A_358, %get3A_359] {strides = array<i32>} : memref<1600x32xf32, #tpu.memory_space<vmem>>, vector<1x16xf32>,
          %get3A_361 = vector.shape_cast %get3A_360 : vector<1x16xf32> to vector<16xf32>
          %mul3A_362 = vector.broadcast %squeeze3A_346 : f32 to vector<16xf32>
          %mul3A_363 = arith.mulf %get3A_361, %mul3A_362 : vector<16xf32>
          %add3A_364 = arith.addf %add3A_344, %mul3A_363 : vector<16xf32>
          %slice3A_365 = vector.extract_strided_slice %get3A_284 {offsets = [4], sizes = [1], strides = [1]} : vector<16xf32> to vector<1xf32>
          %squeeze3A_366 = vector.extract %slice3A_365[0] : f32 from vector<1xf32>
          %add3A_367 = arith.constant 4 : i32
          %add3A_368 = arith.addi %add3A_281, %add3A_367 : i32
          %get3A_369 = arith.index_cast %add3A_368 : i32 to index
          %get3A_370 = arith.constant 0 : index
          %get3A_371 = tpu.vector_load %arg11[%get3A_369, %get3A_370] {strides = array<i32>} : memref<1600x32xf32, #tpu.memory_space<vmem>>, vector<1x16xf32>,
          %get3A_372 = vector.shape_cast %get3A_371 : vector<1x16xf32> to vector<16xf32>
          %mul3A_373 = vector.broadcast %squeeze3A_366 : f32 to vector<16xf32>
          %mul3A_374 = arith.mulf %get3A_372, %mul3A_373 : vector<16xf32>
          %add3A_375 = arith.addf %add3A_355, %mul3A_374 : vector<16xf32>
          %add3A_376 = arith.constant 4 : i32
          %add3A_377 = arith.addi %add3A_281, %add3A_376 : i32
          %get3A_378 = arith.index_cast %add3A_377 : i32 to index
          %get3A_379 = arith.constant 16 : index
          %get3A_380 = tpu.vector_load %arg11[%get3A_378, %get3A_379] {strides = array<i32>} : memref<1600x32xf32, #tpu.memory_space<vmem>>, vector<1x16xf32>,
          %get3A_381 = vector.shape_cast %get3A_380 : vector<1x16xf32> to vector<16xf32>
          %mul3A_382 = vector.broadcast %squeeze3A_366 : f32 to vector<16xf32>
          %mul3A_383 = arith.mulf %get3A_381, %mul3A_382 : vector<16xf32>
          %add3A_384 = arith.addf %add3A_364, %mul3A_383 : vector<16xf32>
          %slice3A_385 = vector.extract_strided_slice %get3A_284 {offsets = [5], sizes = [1], strides = [1]} : vector<16xf32> to vector<1xf32>
          %squeeze3A_386 = vector.extract %slice3A_385[0] : f32 from vector<1xf32>
          %add3A_387 = arith.constant 5 : i32
          %add3A_388 = arith.addi %add3A_281, %add3A_387 : i32
          %get3A_389 = arith.index_cast %add3A_388 : i32 to index
          %get3A_390 = arith.constant 0 : index
          %get3A_391 = tpu.vector_load %arg11[%get3A_389, %get3A_390] {strides = array<i32>} : memref<1600x32xf32, #tpu.memory_space<vmem>>, vector<1x16xf32>,
          %get3A_392 = vector.shape_cast %get3A_391 : vector<1x16xf32> to vector<16xf32>
          %mul3A_393 = vector.broadcast %squeeze3A_386 : f32 to vector<16xf32>
          %mul3A_394 = arith.mulf %get3A_392, %mul3A_393 : vector<16xf32>
          %add3A_395 = arith.addf %add3A_375, %mul3A_394 : vector<16xf32>
          %add3A_396 = arith.constant 5 : i32
          %add3A_397 = arith.addi %add3A_281, %add3A_396 : i32
          %get3A_398 = arith.index_cast %add3A_397 : i32 to index
          %get3A_399 = arith.constant 16 : index
          %get3A_400 = tpu.vector_load %arg11[%get3A_398, %get3A_399] {strides = array<i32>} : memref<1600x32xf32, #tpu.memory_space<vmem>>, vector<1x16xf32>,
          %get3A_401 = vector.shape_cast %get3A_400 : vector<1x16xf32> to vector<16xf32>
          %mul3A_402 = vector.broadcast %squeeze3A_386 : f32 to vector<16xf32>
          %mul3A_403 = arith.mulf %get3A_401, %mul3A_402 : vector<16xf32>
          %add3A_404 = arith.addf %add3A_384, %mul3A_403 : vector<16xf32>
          %slice3A_405 = vector.extract_strided_slice %get3A_284 {offsets = [6], sizes = [1], strides = [1]} : vector<16xf32> to vector<1xf32>
          %squeeze3A_406 = vector.extract %slice3A_405[0] : f32 from vector<1xf32>
          %add3A_407 = arith.constant 6 : i32
          %add3A_408 = arith.addi %add3A_281, %add3A_407 : i32
          %get3A_409 = arith.index_cast %add3A_408 : i32 to index
          %get3A_410 = arith.constant 0 : index
          %get3A_411 = tpu.vector_load %arg11[%get3A_409, %get3A_410] {strides = array<i32>} : memref<1600x32xf32, #tpu.memory_space<vmem>>, vector<1x16xf32>,
          %get3A_412 = vector.shape_cast %get3A_411 : vector<1x16xf32> to vector<16xf32>
          %mul3A_413 = vector.broadcast %squeeze3A_406 : f32 to vector<16xf32>
          %mul3A_414 = arith.mulf %get3A_412, %mul3A_413 : vector<16xf32>
          %add3A_415 = arith.addf %add3A_395, %mul3A_414 : vector<16xf32>
          %add3A_416 = arith.constant 6 : i32
          %add3A_417 = arith.addi %add3A_281, %add3A_416 : i32
          %get3A_418 = arith.index_cast %add3A_417 : i32 to index
          %get3A_419 = arith.constant 16 : index
          %get3A_420 = tpu.vector_load %arg11[%get3A_418, %get3A_419] {strides = array<i32>} : memref<1600x32xf32, #tpu.memory_space<vmem>>, vector<1x16xf32>,
          %get3A_421 = vector.shape_cast %get3A_420 : vector<1x16xf32> to vector<16xf32>
          %mul3A_422 = vector.broadcast %squeeze3A_406 : f32 to vector<16xf32>
          %mul3A_423 = arith.mulf %get3A_421, %mul3A_422 : vector<16xf32>
          %add3A_424 = arith.addf %add3A_404, %mul3A_423 : vector<16xf32>
          %slice3A_425 = vector.extract_strided_slice %get3A_284 {offsets = [7], sizes = [1], strides = [1]} : vector<16xf32> to vector<1xf32>
          %squeeze3A_426 = vector.extract %slice3A_425[0] : f32 from vector<1xf32>
          %add3A_427 = arith.constant 7 : i32
          %add3A_428 = arith.addi %add3A_281, %add3A_427 : i32
          %get3A_429 = arith.index_cast %add3A_428 : i32 to index
          %get3A_430 = arith.constant 0 : index
          %get3A_431 = tpu.vector_load %arg11[%get3A_429, %get3A_430] {strides = array<i32>} : memref<1600x32xf32, #tpu.memory_space<vmem>>, vector<1x16xf32>,
          %get3A_432 = vector.shape_cast %get3A_431 : vector<1x16xf32> to vector<16xf32>
          %mul3A_433 = vector.broadcast %squeeze3A_426 : f32 to vector<16xf32>
          %mul3A_434 = arith.mulf %get3A_432, %mul3A_433 : vector<16xf32>
          %add3A_435 = arith.addf %add3A_415, %mul3A_434 : vector<16xf32>
          %add3A_436 = arith.constant 7 : i32
          %add3A_437 = arith.addi %add3A_281, %add3A_436 : i32
          %get3A_438 = arith.index_cast %add3A_437 : i32 to index
          %get3A_439 = arith.constant 16 : index
          %get3A_440 = tpu.vector_load %arg11[%get3A_438, %get3A_439] {strides = array<i32>} : memref<1600x32xf32, #tpu.memory_space<vmem>>, vector<1x16xf32>,
          %get3A_441 = vector.shape_cast %get3A_440 : vector<1x16xf32> to vector<16xf32>
          %mul3A_442 = vector.broadcast %squeeze3A_426 : f32 to vector<16xf32>
          %mul3A_443 = arith.mulf %get3A_441, %mul3A_442 : vector<16xf32>
          %add3A_444 = arith.addf %add3A_424, %mul3A_443 : vector<16xf32>
          %slice3A_445 = vector.extract_strided_slice %get3A_284 {offsets = [8], sizes = [1], strides = [1]} : vector<16xf32> to vector<1xf32>
          %squeeze3A_446 = vector.extract %slice3A_445[0] : f32 from vector<1xf32>
          %add3A_447 = arith.constant 8 : i32
          %add3A_448 = arith.addi %add3A_281, %add3A_447 : i32
          %get3A_449 = arith.index_cast %add3A_448 : i32 to index
          %get3A_450 = arith.constant 0 : index
          %get3A_451 = tpu.vector_load %arg11[%get3A_449, %get3A_450] {strides = array<i32>} : memref<1600x32xf32, #tpu.memory_space<vmem>>, vector<1x16xf32>,
          %get3A_452 = vector.shape_cast %get3A_451 : vector<1x16xf32> to vector<16xf32>
          %mul3A_453 = vector.broadcast %squeeze3A_446 : f32 to vector<16xf32>
          %mul3A_454 = arith.mulf %get3A_452, %mul3A_453 : vector<16xf32>
          %add3A_455 = arith.addf %add3A_435, %mul3A_454 : vector<16xf32>
          %add3A_456 = arith.constant 8 : i32
          %add3A_457 = arith.addi %add3A_281, %add3A_456 : i32
          %get3A_458 = arith.index_cast %add3A_457 : i32 to index
          %get3A_459 = arith.constant 16 : index
          %get3A_460 = tpu.vector_load %arg11[%get3A_458, %get3A_459] {strides = array<i32>} : memref<1600x32xf32, #tpu.memory_space<vmem>>, vector<1x16xf32>,
          %get3A_461 = vector.shape_cast %get3A_460 : vector<1x16xf32> to vector<16xf32>
          %mul3A_462 = vector.broadcast %squeeze3A_446 : f32 to vector<16xf32>
          %mul3A_463 = arith.mulf %get3A_461, %mul3A_462 : vector<16xf32>
          %add3A_464 = arith.addf %add3A_444, %mul3A_463 : vector<16xf32>
          %slice3A_465 = vector.extract_strided_slice %get3A_284 {offsets = [9], sizes = [1], strides = [1]} : vector<16xf32> to vector<1xf32>
          %squeeze3A_466 = vector.extract %slice3A_465[0] : f32 from vector<1xf32>
          %add3A_467 = arith.constant 9 : i32
          %add3A_468 = arith.addi %add3A_281, %add3A_467 : i32
          %get3A_469 = arith.index_cast %add3A_468 : i32 to index
          %get3A_470 = arith.constant 0 : index
          %get3A_471 = tpu.vector_load %arg11[%get3A_469, %get3A_470] {strides = array<i32>} : memref<1600x32xf32, #tpu.memory_space<vmem>>, vector<1x16xf32>,
          %get3A_472 = vector.shape_cast %get3A_471 : vector<1x16xf32> to vector<16xf32>
          %mul3A_473 = vector.broadcast %squeeze3A_466 : f32 to vector<16xf32>
          %mul3A_474 = arith.mulf %get3A_472, %mul3A_473 : vector<16xf32>
          %add3A_475 = arith.addf %add3A_455, %mul3A_474 : vector<16xf32>
          %add3A_476 = arith.constant 9 : i32
          %add3A_477 = arith.addi %add3A_281, %add3A_476 : i32
          %get3A_478 = arith.index_cast %add3A_477 : i32 to index
          %get3A_479 = arith.constant 16 : index
          %get3A_480 = tpu.vector_load %arg11[%get3A_478, %get3A_479] {strides = array<i32>} : memref<1600x32xf32, #tpu.memory_space<vmem>>, vector<1x16xf32>,
          %get3A_481 = vector.shape_cast %get3A_480 : vector<1x16xf32> to vector<16xf32>
          %mul3A_482 = vector.broadcast %squeeze3A_466 : f32 to vector<16xf32>
          %mul3A_483 = arith.mulf %get3A_481, %mul3A_482 : vector<16xf32>
          %add3A_484 = arith.addf %add3A_464, %mul3A_483 : vector<16xf32>
          %slice3A_485 = vector.extract_strided_slice %get3A_284 {offsets = [10], sizes = [1], strides = [1]} : vector<16xf32> to vector<1xf32>
          %squeeze3A_486 = vector.extract %slice3A_485[0] : f32 from vector<1xf32>
          %add3A_487 = arith.constant 10 : i32
          %add3A_488 = arith.addi %add3A_281, %add3A_487 : i32
          %get3A_489 = arith.index_cast %add3A_488 : i32 to index
          %get3A_490 = arith.constant 0 : index
          %get3A_491 = tpu.vector_load %arg11[%get3A_489, %get3A_490] {strides = array<i32>} : memref<1600x32xf32, #tpu.memory_space<vmem>>, vector<1x16xf32>,
          %get3A_492 = vector.shape_cast %get3A_491 : vector<1x16xf32> to vector<16xf32>
          %mul3A_493 = vector.broadcast %squeeze3A_486 : f32 to vector<16xf32>
          %mul3A_494 = arith.mulf %get3A_492, %mul3A_493 : vector<16xf32>
          %add3A_495 = arith.addf %add3A_475, %mul3A_494 : vector<16xf32>
          %add3A_496 = arith.constant 10 : i32
          %add3A_497 = arith.addi %add3A_281, %add3A_496 : i32
          %get3A_498 = arith.index_cast %add3A_497 : i32 to index
          %get3A_499 = arith.constant 16 : index
          %get3A_500 = tpu.vector_load %arg11[%get3A_498, %get3A_499] {strides = array<i32>} : memref<1600x32xf32, #tpu.memory_space<vmem>>, vector<1x16xf32>,
          %get3A_501 = vector.shape_cast %get3A_500 : vector<1x16xf32> to vector<16xf32>
          %mul3A_502 = vector.broadcast %squeeze3A_486 : f32 to vector<16xf32>
          %mul3A_503 = arith.mulf %get3A_501, %mul3A_502 : vector<16xf32>
          %add3A_504 = arith.addf %add3A_484, %mul3A_503 : vector<16xf32>
          %slice3A_505 = vector.extract_strided_slice %get3A_284 {offsets = [11], sizes = [1], strides = [1]} : vector<16xf32> to vector<1xf32>
          %squeeze3A_506 = vector.extract %slice3A_505[0] : f32 from vector<1xf32>
          %add3A_507 = arith.constant 11 : i32
          %add3A_508 = arith.addi %add3A_281, %add3A_507 : i32
          %get3A_509 = arith.index_cast %add3A_508 : i32 to index
          %get3A_510 = arith.constant 0 : index
          %get3A_511 = tpu.vector_load %arg11[%get3A_509, %get3A_510] {strides = array<i32>} : memref<1600x32xf32, #tpu.memory_space<vmem>>, vector<1x16xf32>,
          %get3A_512 = vector.shape_cast %get3A_511 : vector<1x16xf32> to vector<16xf32>
          %mul3A_513 = vector.broadcast %squeeze3A_506 : f32 to vector<16xf32>
          %mul3A_514 = arith.mulf %get3A_512, %mul3A_513 : vector<16xf32>
          %add3A_515 = arith.addf %add3A_495, %mul3A_514 : vector<16xf32>
          %add3A_516 = arith.constant 11 : i32
          %add3A_517 = arith.addi %add3A_281, %add3A_516 : i32
          %get3A_518 = arith.index_cast %add3A_517 : i32 to index
          %get3A_519 = arith.constant 16 : index
          %get3A_520 = tpu.vector_load %arg11[%get3A_518, %get3A_519] {strides = array<i32>} : memref<1600x32xf32, #tpu.memory_space<vmem>>, vector<1x16xf32>,
          %get3A_521 = vector.shape_cast %get3A_520 : vector<1x16xf32> to vector<16xf32>
          %mul3A_522 = vector.broadcast %squeeze3A_506 : f32 to vector<16xf32>
          %mul3A_523 = arith.mulf %get3A_521, %mul3A_522 : vector<16xf32>
          %add3A_524 = arith.addf %add3A_504, %mul3A_523 : vector<16xf32>
          %slice3A_525 = vector.extract_strided_slice %get3A_284 {offsets = [12], sizes = [1], strides = [1]} : vector<16xf32> to vector<1xf32>
          %squeeze3A_526 = vector.extract %slice3A_525[0] : f32 from vector<1xf32>
          %add3A_527 = arith.constant 12 : i32
          %add3A_528 = arith.addi %add3A_281, %add3A_527 : i32
          %get3A_529 = arith.index_cast %add3A_528 : i32 to index
          %get3A_530 = arith.constant 0 : index
          %get3A_531 = tpu.vector_load %arg11[%get3A_529, %get3A_530] {strides = array<i32>} : memref<1600x32xf32, #tpu.memory_space<vmem>>, vector<1x16xf32>,
          %get3A_532 = vector.shape_cast %get3A_531 : vector<1x16xf32> to vector<16xf32>
          %mul3A_533 = vector.broadcast %squeeze3A_526 : f32 to vector<16xf32>
          %mul3A_534 = arith.mulf %get3A_532, %mul3A_533 : vector<16xf32>
          %add3A_535 = arith.addf %add3A_515, %mul3A_534 : vector<16xf32>
          %add3A_536 = arith.constant 12 : i32
          %add3A_537 = arith.addi %add3A_281, %add3A_536 : i32
          %get3A_538 = arith.index_cast %add3A_537 : i32 to index
          %get3A_539 = arith.constant 16 : index
          %get3A_540 = tpu.vector_load %arg11[%get3A_538, %get3A_539] {strides = array<i32>} : memref<1600x32xf32, #tpu.memory_space<vmem>>, vector<1x16xf32>,
          %get3A_541 = vector.shape_cast %get3A_540 : vector<1x16xf32> to vector<16xf32>
          %mul3A_542 = vector.broadcast %squeeze3A_526 : f32 to vector<16xf32>
          %mul3A_543 = arith.mulf %get3A_541, %mul3A_542 : vector<16xf32>
          %add3A_544 = arith.addf %add3A_524, %mul3A_543 : vector<16xf32>
          %slice3A_545 = vector.extract_strided_slice %get3A_284 {offsets = [13], sizes = [1], strides = [1]} : vector<16xf32> to vector<1xf32>
          %squeeze3A_546 = vector.extract %slice3A_545[0] : f32 from vector<1xf32>
          %add3A_547 = arith.constant 13 : i32
          %add3A_548 = arith.addi %add3A_281, %add3A_547 : i32
          %get3A_549 = arith.index_cast %add3A_548 : i32 to index
          %get3A_550 = arith.constant 0 : index
          %get3A_551 = tpu.vector_load %arg11[%get3A_549, %get3A_550] {strides = array<i32>} : memref<1600x32xf32, #tpu.memory_space<vmem>>, vector<1x16xf32>,
          %get3A_552 = vector.shape_cast %get3A_551 : vector<1x16xf32> to vector<16xf32>
          %mul3A_553 = vector.broadcast %squeeze3A_546 : f32 to vector<16xf32>
          %mul3A_554 = arith.mulf %get3A_552, %mul3A_553 : vector<16xf32>
          %add3A_555 = arith.addf %add3A_535, %mul3A_554 : vector<16xf32>
          %add3A_556 = arith.constant 13 : i32
          %add3A_557 = arith.addi %add3A_281, %add3A_556 : i32
          %get3A_558 = arith.index_cast %add3A_557 : i32 to index
          %get3A_559 = arith.constant 16 : index
          %get3A_560 = tpu.vector_load %arg11[%get3A_558, %get3A_559] {strides = array<i32>} : memref<1600x32xf32, #tpu.memory_space<vmem>>, vector<1x16xf32>,
          %get3A_561 = vector.shape_cast %get3A_560 : vector<1x16xf32> to vector<16xf32>
          %mul3A_562 = vector.broadcast %squeeze3A_546 : f32 to vector<16xf32>
          %mul3A_563 = arith.mulf %get3A_561, %mul3A_562 : vector<16xf32>
          %add3A_564 = arith.addf %add3A_544, %mul3A_563 : vector<16xf32>
          %slice3A_565 = vector.extract_strided_slice %get3A_284 {offsets = [14], sizes = [1], strides = [1]} : vector<16xf32> to vector<1xf32>
          %squeeze3A_566 = vector.extract %slice3A_565[0] : f32 from vector<1xf32>
          %add3A_567 = arith.constant 14 : i32
          %add3A_568 = arith.addi %add3A_281, %add3A_567 : i32
          %get3A_569 = arith.index_cast %add3A_568 : i32 to index
          %get3A_570 = arith.constant 0 : index
          %get3A_571 = tpu.vector_load %arg11[%get3A_569, %get3A_570] {strides = array<i32>} : memref<1600x32xf32, #tpu.memory_space<vmem>>, vector<1x16xf32>,
          %get3A_572 = vector.shape_cast %get3A_571 : vector<1x16xf32> to vector<16xf32>
          %mul3A_573 = vector.broadcast %squeeze3A_566 : f32 to vector<16xf32>
          %mul3A_574 = arith.mulf %get3A_572, %mul3A_573 : vector<16xf32>
          %add3A_575 = arith.addf %add3A_555, %mul3A_574 : vector<16xf32>
          %add3A_576 = arith.constant 14 : i32
          %add3A_577 = arith.addi %add3A_281, %add3A_576 : i32
          %get3A_578 = arith.index_cast %add3A_577 : i32 to index
          %get3A_579 = arith.constant 16 : index
          %get3A_580 = tpu.vector_load %arg11[%get3A_578, %get3A_579] {strides = array<i32>} : memref<1600x32xf32, #tpu.memory_space<vmem>>, vector<1x16xf32>,
          %get3A_581 = vector.shape_cast %get3A_580 : vector<1x16xf32> to vector<16xf32>
          %mul3A_582 = vector.broadcast %squeeze3A_566 : f32 to vector<16xf32>
          %mul3A_583 = arith.mulf %get3A_581, %mul3A_582 : vector<16xf32>
          %add3A_584 = arith.addf %add3A_564, %mul3A_583 : vector<16xf32>
          %slice3A_585 = vector.extract_strided_slice %get3A_284 {offsets = [15], sizes = [1], strides = [1]} : vector<16xf32> to vector<1xf32>
          %squeeze3A_586 = vector.extract %slice3A_585[0] : f32 from vector<1xf32>
          %add3A_587 = arith.constant 15 : i32
          %add3A_588 = arith.addi %add3A_281, %add3A_587 : i32
          %get3A_589 = arith.index_cast %add3A_588 : i32 to index
          %get3A_590 = arith.constant 0 : index
          %get3A_591 = tpu.vector_load %arg11[%get3A_589, %get3A_590] {strides = array<i32>} : memref<1600x32xf32, #tpu.memory_space<vmem>>, vector<1x16xf32>,
          %get3A_592 = vector.shape_cast %get3A_591 : vector<1x16xf32> to vector<16xf32>
          %mul3A_593 = vector.broadcast %squeeze3A_586 : f32 to vector<16xf32>
          %mul3A_594 = arith.mulf %get3A_592, %mul3A_593 : vector<16xf32>
          %add3A_595 = arith.addf %add3A_575, %mul3A_594 : vector<16xf32>
          %add3A_596 = arith.constant 15 : i32
          %add3A_597 = arith.addi %add3A_281, %add3A_596 : i32
          %get3A_598 = arith.index_cast %add3A_597 : i32 to index
          %get3A_599 = arith.constant 16 : index
          %get3A_600 = tpu.vector_load %arg11[%get3A_598, %get3A_599] {strides = array<i32>} : memref<1600x32xf32, #tpu.memory_space<vmem>>, vector<1x16xf32>,
          %get3A_601 = vector.shape_cast %get3A_600 : vector<1x16xf32> to vector<16xf32>
          %mul3A_602 = vector.broadcast %squeeze3A_586 : f32 to vector<16xf32>
          %mul3A_603 = arith.mulf %get3A_601, %mul3A_602 : vector<16xf32>
          %add3A_604 = arith.addf %add3A_584, %mul3A_603 : vector<16xf32>
          scf.yield %add3A_595, %add3A_604 : vector<16xf32>, vector<16xf32>
        }
        %scan3A_96 = arith.constant 12 : i32
        %add3A_97 = arith.constant 200 : i32
        %add3A_98 = arith.addi %mul3A_89, %add3A_97 : i32
        %sub3A = arith.constant 16 : i32
        %sub3A_99 = arith.subi %add3A_98, %sub3A : i32
        %get3A = arith.index_cast %sub3A_99 : i32 to index
        %get3A_100 = tpu.vector_load %arg9[%get3A] {strides = array<i32>} : memref<1600xf32, #tpu.memory_space<vmem>>, vector<16xf32>,
        %get3A_101 = vector.shape_cast %get3A_100 : vector<16xf32> to vector<16xf32>
        %slice3A = vector.extract_strided_slice %get3A_101 {offsets = [8], sizes = [1], strides = [1]} : vector<16xf32> to vector<1xf32>
        %squeeze3A = vector.extract %slice3A[0] : f32 from vector<1xf32>
        %add3A_102 = arith.constant 8 : i32
        %add3A_103 = arith.addi %sub3A_99, %add3A_102 : i32
        %get3A_104 = arith.index_cast %add3A_103 : i32 to index
        %get3A_105 = arith.constant 0 : index
        %get3A_106 = tpu.vector_load %arg11[%get3A_104, %get3A_105] {strides = array<i32>} : memref<1600x32xf32, #tpu.memory_space<vmem>>, vector<1x16xf32>,
        %get3A_107 = vector.shape_cast %get3A_106 : vector<1x16xf32> to vector<16xf32>
        %mul3A_108 = vector.broadcast %squeeze3A : f32 to vector<16xf32>
        %mul3A_109 = arith.mulf %get3A_107, %mul3A_108 : vector<16xf32>
        %add3A_110 = arith.addf %scan3A_95#0, %mul3A_109 : vector<16xf32>
        %add3A_111 = arith.constant 8 : i32
        %add3A_112 = arith.addi %sub3A_99, %add3A_111 : i32
        %get3A_113 = arith.index_cast %add3A_112 : i32 to index
        %get3A_114 = arith.constant 16 : index
        %get3A_115 = tpu.vector_load %arg11[%get3A_113, %get3A_114] {strides = array<i32>} : memref<1600x32xf32, #tpu.memory_space<vmem>>, vector<1x16xf32>,
        %get3A_116 = vector.shape_cast %get3A_115 : vector<1x16xf32> to vector<16xf32>
        %mul3A_117 = vector.broadcast %squeeze3A : f32 to vector<16xf32>
        %mul3A_118 = arith.mulf %get3A_116, %mul3A_117 : vector<16xf32>
        %add3A_119 = arith.addf %scan3A_95#1, %mul3A_118 : vector<16xf32>
        %slice3A_120 = vector.extract_strided_slice %get3A_101 {offsets = [9], sizes = [1], strides = [1]} : vector<16xf32> to vector<1xf32>
        %squeeze3A_121 = vector.extract %slice3A_120[0] : f32 from vector<1xf32>
        %add3A_122 = arith.constant 9 : i32
        %add3A_123 = arith.addi %sub3A_99, %add3A_122 : i32
        %get3A_124 = arith.index_cast %add3A_123 : i32 to index
        %get3A_125 = arith.constant 0 : index
        %get3A_126 = tpu.vector_load %arg11[%get3A_124, %get3A_125] {strides = array<i32>} : memref<1600x32xf32, #tpu.memory_space<vmem>>, vector<1x16xf32>,
        %get3A_127 = vector.shape_cast %get3A_126 : vector<1x16xf32> to vector<16xf32>
        %mul3A_128 = vector.broadcast %squeeze3A_121 : f32 to vector<16xf32>
        %mul3A_129 = arith.mulf %get3A_127, %mul3A_128 : vector<16xf32>
        %add3A_130 = arith.addf %add3A_110, %mul3A_129 : vector<16xf32>
        %add3A_131 = arith.constant 9 : i32
        %add3A_132 = arith.addi %sub3A_99, %add3A_131 : i32
        %get3A_133 = arith.index_cast %add3A_132 : i32 to index
        %get3A_134 = arith.constant 16 : index
        %get3A_135 = tpu.vector_load %arg11[%get3A_133, %get3A_134] {strides = array<i32>} : memref<1600x32xf32, #tpu.memory_space<vmem>>, vector<1x16xf32>,
        %get3A_136 = vector.shape_cast %get3A_135 : vector<1x16xf32> to vector<16xf32>
        %mul3A_137 = vector.broadcast %squeeze3A_121 : f32 to vector<16xf32>
        %mul3A_138 = arith.mulf %get3A_136, %mul3A_137 : vector<16xf32>
        %add3A_139 = arith.addf %add3A_119, %mul3A_138 : vector<16xf32>
        %slice3A_140 = vector.extract_strided_slice %get3A_101 {offsets = [10], sizes = [1], strides = [1]} : vector<16xf32> to vector<1xf32>
        %squeeze3A_141 = vector.extract %slice3A_140[0] : f32 from vector<1xf32>
        %add3A_142 = arith.constant 10 : i32
        %add3A_143 = arith.addi %sub3A_99, %add3A_142 : i32
        %get3A_144 = arith.index_cast %add3A_143 : i32 to index
        %get3A_145 = arith.constant 0 : index
        %get3A_146 = tpu.vector_load %arg11[%get3A_144, %get3A_145] {strides = array<i32>} : memref<1600x32xf32, #tpu.memory_space<vmem>>, vector<1x16xf32>,
        %get3A_147 = vector.shape_cast %get3A_146 : vector<1x16xf32> to vector<16xf32>
        %mul3A_148 = vector.broadcast %squeeze3A_141 : f32 to vector<16xf32>
        %mul3A_149 = arith.mulf %get3A_147, %mul3A_148 : vector<16xf32>
        %add3A_150 = arith.addf %add3A_130, %mul3A_149 : vector<16xf32>
        %add3A_151 = arith.constant 10 : i32
        %add3A_152 = arith.addi %sub3A_99, %add3A_151 : i32
        %get3A_153 = arith.index_cast %add3A_152 : i32 to index
        %get3A_154 = arith.constant 16 : index
        %get3A_155 = tpu.vector_load %arg11[%get3A_153, %get3A_154] {strides = array<i32>} : memref<1600x32xf32, #tpu.memory_space<vmem>>, vector<1x16xf32>,
        %get3A_156 = vector.shape_cast %get3A_155 : vector<1x16xf32> to vector<16xf32>
        %mul3A_157 = vector.broadcast %squeeze3A_141 : f32 to vector<16xf32>
        %mul3A_158 = arith.mulf %get3A_156, %mul3A_157 : vector<16xf32>
        %add3A_159 = arith.addf %add3A_139, %mul3A_158 : vector<16xf32>
        %slice3A_160 = vector.extract_strided_slice %get3A_101 {offsets = [11], sizes = [1], strides = [1]} : vector<16xf32> to vector<1xf32>
        %squeeze3A_161 = vector.extract %slice3A_160[0] : f32 from vector<1xf32>
        %add3A_162 = arith.constant 11 : i32
        %add3A_163 = arith.addi %sub3A_99, %add3A_162 : i32
        %get3A_164 = arith.index_cast %add3A_163 : i32 to index
        %get3A_165 = arith.constant 0 : index
        %get3A_166 = tpu.vector_load %arg11[%get3A_164, %get3A_165] {strides = array<i32>} : memref<1600x32xf32, #tpu.memory_space<vmem>>, vector<1x16xf32>,
        %get3A_167 = vector.shape_cast %get3A_166 : vector<1x16xf32> to vector<16xf32>
        %mul3A_168 = vector.broadcast %squeeze3A_161 : f32 to vector<16xf32>
        %mul3A_169 = arith.mulf %get3A_167, %mul3A_168 : vector<16xf32>
        %add3A_170 = arith.addf %add3A_150, %mul3A_169 : vector<16xf32>
        %add3A_171 = arith.constant 11 : i32
        %add3A_172 = arith.addi %sub3A_99, %add3A_171 : i32
        %get3A_173 = arith.index_cast %add3A_172 : i32 to index
        %get3A_174 = arith.constant 16 : index
        %get3A_175 = tpu.vector_load %arg11[%get3A_173, %get3A_174] {strides = array<i32>} : memref<1600x32xf32, #tpu.memory_space<vmem>>, vector<1x16xf32>,
        %get3A_176 = vector.shape_cast %get3A_175 : vector<1x16xf32> to vector<16xf32>
        %mul3A_177 = vector.broadcast %squeeze3A_161 : f32 to vector<16xf32>
        %mul3A_178 = arith.mulf %get3A_176, %mul3A_177 : vector<16xf32>
        %add3A_179 = arith.addf %add3A_159, %mul3A_178 : vector<16xf32>
        %slice3A_180 = vector.extract_strided_slice %get3A_101 {offsets = [12], sizes = [1], strides = [1]} : vector<16xf32> to vector<1xf32>
        %squeeze3A_181 = vector.extract %slice3A_180[0] : f32 from vector<1xf32>
        %add3A_182 = arith.constant 12 : i32
        %add3A_183 = arith.addi %sub3A_99, %add3A_182 : i32
        %get3A_184 = arith.index_cast %add3A_183 : i32 to index
        %get3A_185 = arith.constant 0 : index
        %get3A_186 = tpu.vector_load %arg11[%get3A_184, %get3A_185] {strides = array<i32>} : memref<1600x32xf32, #tpu.memory_space<vmem>>, vector<1x16xf32>,
        %get3A_187 = vector.shape_cast %get3A_186 : vector<1x16xf32> to vector<16xf32>
        %mul3A_188 = vector.broadcast %squeeze3A_181 : f32 to vector<16xf32>
        %mul3A_189 = arith.mulf %get3A_187, %mul3A_188 : vector<16xf32>
        %add3A_190 = arith.addf %add3A_170, %mul3A_189 : vector<16xf32>
        %add3A_191 = arith.constant 12 : i32
        %add3A_192 = arith.addi %sub3A_99, %add3A_191 : i32
        %get3A_193 = arith.index_cast %add3A_192 : i32 to index
        %get3A_194 = arith.constant 16 : index
        %get3A_195 = tpu.vector_load %arg11[%get3A_193, %get3A_194] {strides = array<i32>} : memref<1600x32xf32, #tpu.memory_space<vmem>>, vector<1x16xf32>,
        %get3A_196 = vector.shape_cast %get3A_195 : vector<1x16xf32> to vector<16xf32>
        %mul3A_197 = vector.broadcast %squeeze3A_181 : f32 to vector<16xf32>
        %mul3A_198 = arith.mulf %get3A_196, %mul3A_197 : vector<16xf32>
        %add3A_199 = arith.addf %add3A_179, %mul3A_198 : vector<16xf32>
        %slice3A_200 = vector.extract_strided_slice %get3A_101 {offsets = [13], sizes = [1], strides = [1]} : vector<16xf32> to vector<1xf32>
        %squeeze3A_201 = vector.extract %slice3A_200[0] : f32 from vector<1xf32>
        %add3A_202 = arith.constant 13 : i32
        %add3A_203 = arith.addi %sub3A_99, %add3A_202 : i32
        %get3A_204 = arith.index_cast %add3A_203 : i32 to index
        %get3A_205 = arith.constant 0 : index
        %get3A_206 = tpu.vector_load %arg11[%get3A_204, %get3A_205] {strides = array<i32>} : memref<1600x32xf32, #tpu.memory_space<vmem>>, vector<1x16xf32>,
        %get3A_207 = vector.shape_cast %get3A_206 : vector<1x16xf32> to vector<16xf32>
        %mul3A_208 = vector.broadcast %squeeze3A_201 : f32 to vector<16xf32>
        %mul3A_209 = arith.mulf %get3A_207, %mul3A_208 : vector<16xf32>
        %add3A_210 = arith.addf %add3A_190, %mul3A_209 : vector<16xf32>
        %add3A_211 = arith.constant 13 : i32
        %add3A_212 = arith.addi %sub3A_99, %add3A_211 : i32
        %get3A_213 = arith.index_cast %add3A_212 : i32 to index
        %get3A_214 = arith.constant 16 : index
        %get3A_215 = tpu.vector_load %arg11[%get3A_213, %get3A_214] {strides = array<i32>} : memref<1600x32xf32, #tpu.memory_space<vmem>>, vector<1x16xf32>,
        %get3A_216 = vector.shape_cast %get3A_215 : vector<1x16xf32> to vector<16xf32>
        %mul3A_217 = vector.broadcast %squeeze3A_201 : f32 to vector<16xf32>
        %mul3A_218 = arith.mulf %get3A_216, %mul3A_217 : vector<16xf32>
        %add3A_219 = arith.addf %add3A_199, %mul3A_218 : vector<16xf32>
        %slice3A_220 = vector.extract_strided_slice %get3A_101 {offsets = [14], sizes = [1], strides = [1]} : vector<16xf32> to vector<1xf32>
        %squeeze3A_221 = vector.extract %slice3A_220[0] : f32 from vector<1xf32>
        %add3A_222 = arith.constant 14 : i32
        %add3A_223 = arith.addi %sub3A_99, %add3A_222 : i32
        %get3A_224 = arith.index_cast %add3A_223 : i32 to index
        %get3A_225 = arith.constant 0 : index
        %get3A_226 = tpu.vector_load %arg11[%get3A_224, %get3A_225] {strides = array<i32>} : memref<1600x32xf32, #tpu.memory_space<vmem>>, vector<1x16xf32>,
        %get3A_227 = vector.shape_cast %get3A_226 : vector<1x16xf32> to vector<16xf32>
        %mul3A_228 = vector.broadcast %squeeze3A_221 : f32 to vector<16xf32>
        %mul3A_229 = arith.mulf %get3A_227, %mul3A_228 : vector<16xf32>
        %add3A_230 = arith.addf %add3A_210, %mul3A_229 : vector<16xf32>
        %add3A_231 = arith.constant 14 : i32
        %add3A_232 = arith.addi %sub3A_99, %add3A_231 : i32
        %get3A_233 = arith.index_cast %add3A_232 : i32 to index
        %get3A_234 = arith.constant 16 : index
        %get3A_235 = tpu.vector_load %arg11[%get3A_233, %get3A_234] {strides = array<i32>} : memref<1600x32xf32, #tpu.memory_space<vmem>>, vector<1x16xf32>,
        %get3A_236 = vector.shape_cast %get3A_235 : vector<1x16xf32> to vector<16xf32>
        %mul3A_237 = vector.broadcast %squeeze3A_221 : f32 to vector<16xf32>
        %mul3A_238 = arith.mulf %get3A_236, %mul3A_237 : vector<16xf32>
        %add3A_239 = arith.addf %add3A_219, %mul3A_238 : vector<16xf32>
        %slice3A_240 = vector.extract_strided_slice %get3A_101 {offsets = [15], sizes = [1], strides = [1]} : vector<16xf32> to vector<1xf32>
        %squeeze3A_241 = vector.extract %slice3A_240[0] : f32 from vector<1xf32>
        %add3A_242 = arith.constant 15 : i32
        %add3A_243 = arith.addi %sub3A_99, %add3A_242 : i32
        %get3A_244 = arith.index_cast %add3A_243 : i32 to index
        %get3A_245 = arith.constant 0 : index
        %get3A_246 = tpu.vector_load %arg11[%get3A_244, %get3A_245] {strides = array<i32>} : memref<1600x32xf32, #tpu.memory_space<vmem>>, vector<1x16xf32>,
        %get3A_247 = vector.shape_cast %get3A_246 : vector<1x16xf32> to vector<16xf32>
        %mul3A_248 = vector.broadcast %squeeze3A_241 : f32 to vector<16xf32>
        %mul3A_249 = arith.mulf %get3A_247, %mul3A_248 : vector<16xf32>
        %add3A_250 = arith.addf %add3A_230, %mul3A_249 : vector<16xf32>
        %add3A_251 = arith.constant 15 : i32
        %add3A_252 = arith.addi %sub3A_99, %add3A_251 : i32
        %get3A_253 = arith.index_cast %add3A_252 : i32 to index
        %get3A_254 = arith.constant 16 : index
        %get3A_255 = tpu.vector_load %arg11[%get3A_253, %get3A_254] {strides = array<i32>} : memref<1600x32xf32, #tpu.memory_space<vmem>>, vector<1x16xf32>,
        %get3A_256 = vector.shape_cast %get3A_255 : vector<1x16xf32> to vector<16xf32>
        %mul3A_257 = vector.broadcast %squeeze3A_241 : f32 to vector<16xf32>
        %mul3A_258 = arith.mulf %get3A_256, %mul3A_257 : vector<16xf32>
        %add3A_259 = arith.addf %add3A_239, %mul3A_258 : vector<16xf32>
        %mul3A_260 = arith.constant 8 : i32
        %mul3A_261 = arith.muli %add3A_60, %mul3A_260 : i32
        %add3A_262 = arith.addi %mul3A_261, %scan3A_86 : i32
        %swap3A = arith.index_cast %add3A_262 : i32 to index
        %swap3A_263 = arith.constant 0 : index
        %swap3A_264 = tpu.vector_load %arg12[%swap3A, %swap3A_263] {strides = array<i32>} : memref<512x32xf32, #tpu.memory_space<vmem>>, vector<1x16xf32>,
        %swap3A_265 = vector.shape_cast %swap3A_264 : vector<1x16xf32> to vector<16xf32>
        %swap3A_266 = vector.shape_cast %add3A_250 : vector<16xf32> to vector<1x16xf32>
        tpu.vector_store %arg12[%swap3A, %swap3A_263], %swap3A_266 {strides = array<i32>} : memref<512x32xf32, #tpu.memory_space<vmem>>, vector<1x16xf32>,
        %mul3A_267 = arith.constant 8 : i32
        %mul3A_268 = arith.muli %add3A_60, %mul3A_267 : i32
        %add3A_269 = arith.addi %mul3A_268, %scan3A_86 : i32
        %swap3A_270 = arith.index_cast %add3A_269 : i32 to index
        %swap3A_271 = arith.constant 16 : index
        %swap3A_272 = tpu.vector_load %arg12[%swap3A_270, %swap3A_271] {strides = array<i32>} : memref<512x32xf32, #tpu.memory_space<vmem>>, vector<1x16xf32>,
        %swap3A_273 = vector.shape_cast %swap3A_272 : vector<1x16xf32> to vector<16xf32>
        %swap3A_274 = vector.shape_cast %add3A_259 : vector<16xf32> to vector<1x16xf32>
        tpu.vector_store %arg12[%swap3A_270, %swap3A_271], %swap3A_274 {strides = array<i32>} : memref<512x32xf32, #tpu.memory_space<vmem>>, vector<1x16xf32>,
        %scan3A_275 = arith.constant 0 : i32
        scf.yield %scan3A_275 : i32
      }
      %scan3A_77 = arith.constant 8 : i32
      %add3A_78 = arith.constant 2 : i32
      %add3A_79 = arith.addi %add3A_60, %add3A_78 : i32
      %lt3A_80 = arith.constant 64 : i32
      %lt3A_81 = arith.cmpi slt, %add3A_79, %lt3A_80 : i32
      %convert_element_type3A_82 = arith.extui %lt3A_81 : i1 to i32
      %cond3A_83 = arith.constant 0 : i32
      %cond3A_84 = arith.cmpi ne, %convert_element_type3A_82, %cond3A_83 : i32
      scf.if %cond3A_84 {
        %add3A_86 = arith.constant 2 : i32
        %add3A_87 = arith.addi %add3A_60, %add3A_86 : i32
        %mul3A_88 = arith.constant 1600 : i32
        %mul3A_89 = arith.muli %add3A_87, %mul3A_88 : i32
        %add3A_90 = arith.addi %mul3A_2, %mul3A_89 : i32
        %dma_start3A_91 = tpu.memref_slice %arg2[%add3A_90] : memref<3276800xi32, #tpu.memory_space<hbm>> -> memref<1600xi32, #tpu.memory_space<hbm>>
        %dma_start3A_92 = tpu.memref_slice %arg2[%add3A_90] : memref<3276800xi32, #tpu.memory_space<hbm>> -> memref<1600xi32, #tpu.memory_space<hbm>>
        tpu.enqueue_dma source(%dma_start3A_92 : memref<1600xi32, #tpu.memory_space<hbm>>) target(%arg7 : memref<1600xi32, #tpu.memory_space<vmem>>) target_semaphore(%arg14 : memref<!tpu.dma_semaphore, #tpu.memory_space<semaphore_mem>>)
        %dma_start3A_93 = tpu.memref_slice %arg3[%add3A_90] : memref<3276800xf32, #tpu.memory_space<hbm>> -> memref<1600xf32, #tpu.memory_space<hbm>>
        %dma_start3A_94 = tpu.memref_slice %arg3[%add3A_90] : memref<3276800xf32, #tpu.memory_space<hbm>> -> memref<1600xf32, #tpu.memory_space<hbm>>
        tpu.enqueue_dma source(%dma_start3A_94 : memref<1600xf32, #tpu.memory_space<hbm>>) target(%arg9 : memref<1600xf32, #tpu.memory_space<vmem>>) target_semaphore(%arg14 : memref<!tpu.dma_semaphore, #tpu.memory_space<semaphore_mem>>)
      } else {
      }
      %scan3A_85 = arith.constant 0 : i32
      scf.yield %scan3A_85 : i32
    }
    %scan3A_27 = arith.constant 32 : i32
    %mul3A_28 = arith.constant 512 : i32
    %mul3A_29 = arith.muli %add3A, %mul3A_28 : i32
    "tpu.region"() ({
      %run_scoped3A = tpu.sem_alloc : memref<!tpu.dma_semaphore, #tpu.memory_space<semaphore_mem>>
      %dma_start3A_30 = arith.constant 0 : i32
      %dma_start3A_31 = tpu.memref_slice %arg5[%mul3A_29, %dma_start3A_30] : memref<16384x32xf32, #tpu.memory_space<hbm>> -> memref<512x32xf32, #tpu.memory_space<hbm>>
      %dma_start3A_32 = arith.constant 0 : i32
      %dma_start3A_33 = tpu.memref_slice %arg5[%mul3A_29, %dma_start3A_32] : memref<16384x32xf32, #tpu.memory_space<hbm>> -> memref<512x32xf32, #tpu.memory_space<hbm>>
      tpu.enqueue_dma source(%arg12 : memref<512x32xf32, #tpu.memory_space<vmem>>) target(%dma_start3A_33 : memref<512x32xf32, #tpu.memory_space<hbm>>) target_semaphore(%run_scoped3A : memref<!tpu.dma_semaphore, #tpu.memory_space<semaphore_mem>>)
      %dma_wait3A_34 = arith.constant 0 : i32
      %dma_wait3A_35 = tpu.memref_slice %arg5[%mul3A_29, %dma_wait3A_34] : memref<16384x32xf32, #tpu.memory_space<hbm>> -> memref<512x32xf32, #tpu.memory_space<hbm>>
      %dma_wait3A_36 = arith.constant 0 : i32
      %dma_wait3A_37 = tpu.memref_slice %arg5[%mul3A_29, %dma_wait3A_36] : memref<16384x32xf32, #tpu.memory_space<hbm>> -> memref<512x32xf32, #tpu.memory_space<hbm>>
      tpu.wait_dma2 semaphore(%run_scoped3A : memref<!tpu.dma_semaphore, #tpu.memory_space<semaphore_mem>>) src(%arg12 : memref<512x32xf32, #tpu.memory_space<vmem>>) dst(%dma_wait3A_37 : memref<512x32xf32, #tpu.memory_space<hbm>>)
      tpu.yield
    }) : () -> ()
    return
  }
}

</mosaic_0001>

<sc_bundles>
// kernel: kernel.3.cloned.1.call-start
scs
__scs_entry_jumppad:
0x0: {  	(pc) =	sbr.rel $0x88, $3  }
0x1: {  	(tag) =	ssettag $0x0;
	lr =	simm.s32 $0x1  }
0x2: {  	[smem:$0x3F9E] =	sst lr;
	_ =	strace $0xD0000000  }
0x3: {  	_ = 	snop  }
0x4: {  	_ = 	snop  }
0x5: {  	_ = 	snop  }
0x6: {  	_ = 	snop  }
0x7: {  	_ = 	snop  }
__scs_overlays_trampoline_lowered:
0x8: {  	[smem:$0x3FAD] =	sst s0  }
0x9: {  	[smem:$0x3FAE] =	sst s1  }
0xa: {  	[smem:$0x3FAF] =	sst s2  }
0xb: {  	[smem:$0x3FB0] =	sst s3  }
0xc: {  	[smem:$0x3FB1] =	sst s4  }
0xd: {  	[smem:$0x3FB2] =	sst s5  }
0xe: {  	[smem:$0x3FB3] =	sst s6  }
0xf: {  	[smem:$0x3FB4] =	sst s7  }
0x10: {  	[smem:$0x3FB5] =	sst s8  }
0x11: {  	[smem:$0x3FB6] =	sst s9;
	s0 =	simm.s32 @!p0 $0x0  }
0x12: {  	s1 =	sld [smem:$0x3F9C];
	s0 =	simm.s32 @p0 $0x1  }
0x13: {  	[smem:$0x3FB7] =	sst s0;
	s0 =	simm.s32 @!p1 $0x0  }
0x14: {  	s2 =	sld [smem:$0x3F9B];
	s0 =	simm.s32 @p1 $0x1  }
0x15: {  	[smem:$0x3FB8] =	sst s0;
	s0 =	simm.s32 @!p2 $0x0  }
0x16: {  	s3 =	sld [smem:$0x3FDB];
	s0 =	simm.s32 @p2 $0x1  }
0x17: {  	s4 =	simm.s32 $0x1BF5;
	[smem:$0x3FBA] =	sst s0  }
0x18: {  	s0 =	sld [smem:$0x3F9D];
	_ =	swait.ge [sflag:s4], $0x0  }
0x19: {  	s7 =	sld [smem:$0x3F9E]  }
0x1a: {  	s8 =	sadd.s32 $0xFFFFE003, lr  }
0x1b: {  	s9 =	sadd.s32 $0xFFFFFEF7, lr;
	s5 =	simm.s32 $0xFFFFFFFF;
	p2 =	slt.u32 s8, $0xFFFFF086  }
0x1c: {  	p1 =	slt.u32 s9, $0xF7A;
	s5 =	simm.s32 @!p2 $0x0  }
0x1d: {  	s5 =	simm.s32 @p1 $0x1;
	p0 =	seq.s32 s7, s2  }
0x1e: {  	s7 =	smul.u32 @!p0 $0xF7A, s2;
	p2 =	seq.s32 @!p0 s5, $0x0  }
0x1f: {  	s9 =	smul.u32 $0xF7A, s1;
	s8 =	simm.s32 @!p0 $0x1BF5;
	p2 =	por !p2, p0  }
0x20: {  	[sflag:s8] =	ssyncset.s32 @!p0 $0xFFFFF086;
	s6 =	sadd.s32 @!p0 s3, s7;
	s7 =	simm.s32 @!p0 $0x108  }
0x21: {  	s3 =	sadd.s32 s3, s9;
	s6 =	sadd.s32 @!p0 $0x88, s6;
	s7 =	simm.s32 @p2 $0x1082  }
0x22: {  	[simem:s7], [sflag:s8] =	dma.local @!p0 [hbm:s6], $0xF7A  }
0x23: {  	s9 =	sor.u32 $0xD0000000, s2;
	s6 =	simm.s32 $0x108;
	_ =	swait.ge @!p0 [sflag:s8], $0x0  }
0x24: {  	s3 =	sadd.s32 $0x88, s3;
	s6 =	simm.s32 @!p1 $0x1082;
	[sflag:s4] =	ssyncset.s32 $0xFFFFF086  }
0x25: {  	[simem:s6], [sflag:s4] =	dma.local [hbm:s3], $0xF7A  }
0x26: {  	[smem:$0x3F9E] =	sst s1;
	(tag) =	ssettag s2;
	_ =	strace s9  }
0x27: {  	s1 =	sld [smem:$0x3FAE]  }
0x28: {  	s2 =	sld [smem:$0x3FAF]  }
0x29: {  	s4 =	sld [smem:$0x3FB1]  }
0x2a: {  	p0 =	seq.s32 s5, $0x0;
	s5 =	sld [smem:$0x3FB2]  }
0x2b: {  	s6 =	sld [smem:$0x3FB3]  }
0x2c: {  	s7 =	sld [smem:$0x3FB4]  }
0x2d: {  	s3 =	simm.s32 $0x108;
	s8 =	sld [smem:$0x3FB5]  }
0x2e: {  	s3 =	simm.s32 @!p0 $0x1082;
	s9 =	sld [smem:$0x3FB6]  }
0x2f: {  	lr =	sadd.s32 s0, s3;
	s0 =	sld [smem:$0x3FAD]  }
0x30: {  	s3 =	sld [smem:$0x3FB0]  }
0x31: {  	[smem:$0x3FB9] =	sst s10  }
0x32: {  	s10 =	sld [smem:$0x3FB7];
	_ =	sdelay $0x3  }
0x33: {  	p0 =	seq.s32 s10, $0x1;
	s10 =	sld [smem:$0x3FB9];
	_ =	sdelay $0x3  }
0x34: {  	[smem:$0x3FB9] =	sst s10  }
0x35: {  	s10 =	sld [smem:$0x3FB8];
	_ =	sdelay $0x3  }
0x36: {  	p1 =	seq.s32 s10, $0x1;
	s10 =	sld [smem:$0x3FB9];
	_ =	sdelay $0x3  }
0x37: {  	[smem:$0x3FB9] =	sst s10  }
0x38: {  	s10 =	sld [smem:$0x3FBA]  }
0x39: {  	_ = 	snop;
	(pc) =	sbr.ind lr, $3  }
0x3a: {  	_ = 	snop  }
0x3b: {  	_ = 	snop  }
0x3c: {  	p2 =	seq.s32 s10, $0x1;
	s10 =	sld [smem:$0x3FB9]  }
0x3d: {  	_ =	shalt  }
0x3e: {  	_ =	shalt  }
0x3f: {  	_ =	shalt  }
0x40: {  	_ =	shalt  }
0x41: {  	_ =	shalt  }
0x42: {  	_ =	shalt  }
0x43: {  	_ =	shalt  }
0x44: {  	_ =	shalt  }
0x45: {  	_ =	shalt  }
0x46: {  	_ =	shalt  }
0x47: {  	_ =	shalt  }
0x48: {  	_ =	shalt  }
0x49: {  	_ =	shalt  }
0x4a: {  	_ =	shalt  }
0x4b: {  	_ =	shalt  }
0x4c: {  	_ =	shalt  }
0x4d: {  	_ =	shalt  }
0x4e: {  	_ =	shalt  }
0x4f: {  	_ =	shalt  }
0x50: {  	_ =	shalt  }
0x51: {  	_ =	shalt  }
0x52: {  	_ =	shalt  }
0x53: {  	_ =	shalt  }
0x54: {  	_ =	shalt  }
0x55: {  	_ =	shalt  }
0x56: {  	_ =	shalt  }
0x57: {  	_ =	shalt  }
0x58: {  	_ =	shalt  }
0x59: {  	_ =	shalt  }
0x5a: {  	_ =	shalt  }
0x5b: {  	_ =	shalt  }
0x5c: {  	_ =	shalt  }
0x5d: {  	_ =	shalt  }
0x5e: {  	_ =	shalt  }
0x5f: {  	_ =	shalt  }
0x60: {  	_ =	shalt  }
0x61: {  	_ =	shalt  }
0x62: {  	_ =	shalt  }
0x63: {  	_ =	shalt  }
0x64: {  	_ =	shalt  }
0x65: {  	_ =	shalt  }
0x66: {  	_ =	shalt  }
0x67: {  	_ =	shalt  }
0x68: {  	_ =	shalt  }
0x69: {  	_ =	shalt  }
0x6a: {  	_ =	shalt  }
0x6b: {  	_ =	shalt  }
0x6c: {  	_ =	shalt  }
0x6d: {  	_ =	shalt  }
0x6e: {  	_ =	shalt  }
0x6f: {  	_ =	shalt  }
0x70: {  	_ =	shalt  }
0x71: {  	_ =	shalt  }
0x72: {  	_ =	shalt  }
0x73: {  	_ =	shalt  }
0x74: {  	_ =	shalt  }
0x75: {  	_ =	shalt  }
0x76: {  	_ =	shalt  }
0x77: {  	_ =	shalt  }
0x78: {  	_ =	shalt  }
0x79: {  	_ =	shalt  }
0x7a: {  	_ =	shalt  }
0x7b: {  	_ =	shalt  }
0x7c: {  	_ =	shalt  }
0x7d: {  	_ =	shalt  }
0x7e: {  	_ =	shalt  }
0x7f: {  	_ =	shalt  }
0x80: {  	_ =	shalt  }
0x81: {  	_ =	shalt  }
0x82: {  	_ =	shalt  }
0x83: {  	_ =	shalt  }
0x84: {  	_ =	shalt  }
0x85: {  	_ =	shalt  }
0x86: {  	_ =	shalt  }
0x87: {  	_ =	shalt  }
.Lfunc_end0:
.L_simem_size_0:
called_computation_lowered:
.L_overlay_start_0:
0x88: {  	s2 =	sld [smem:$0x3FD9]  }
0x89: {  	s3 =	sld [smem:$0x3FFE];
	_ =	sdelay $0x1  }
0x8a: {  	s1 =	srdreg.scid  }
0x8b: {  	s0 =	sand.u32 $0x1, s1  }
0x8c: {  	s17 =	sshll.u32 s0, $0xA;
	s2 =	sadd.s32 s3, s2  }
0x8d: {  	s2 =	sadd.s32 s2, s17  }
0x8e: {  	[smem:$0x3FC5] =	sst s2  }
0x8f: {  	_ = 	snop  }
0x90: {  	s2 =	sld [smem:$0x3FD0];
	(tm) =	ssettm $0x1  }
0x91: {  	s18 =	sld [smem:$0x3FFB];
	_ =	sdelay $0x3  }
0x92: {  	_ =	strace s18  }
0x93: {  	s3 =	sld [smem:$0x3FFC];
	_ =	sdelay $0x3  }
0x94: {  	_ =	strace s3  }
0x95: {  	s3 =	sld [smem:$0x3FFD];
	_ =	sdelay $0x3  }
0x96: {  	_ =	strace s3  }
0x97: {  	_ =	strace $0x8FFFFFFF  }
0x98: {  	s19 =	sld [smem:$0x3FDB];
	_ =	sdelay $0x1  }
0x99: {  	s4 =	simm.s32 $_scs_section_size  }
0x9a: {  	s5 =	simm.s32 $_size__tile_overlayer_lowered;
	s6 =	simm.s32 $_tile_overlayer_lowered  }
0x9b: {  	s22 =	simm.s32 $0x1BFF;
	s21 =	sshll.u32 s6, $0x1;
	s3 =	sadd.s32 s4, s19  }
0x9c: {  	s7 =	simm.s32 $0x0;
	s20 =	sshll.u32 s5, $0x1;
	s5 =	sadd.s32 s21, s3  }
0x9d: {  	[timem:s7], [sflag:s22] =	dma.local [hbm:s5], s20  }
0x9e: {  	_ =	swait.ge [sflag:s22], s20  }
0x9f: {  	s4 =	ssub.s32 $0x0, s20;
	[sflag:s22] =	ssyncset.done $0x0  }
0xa0: {  	[sflag:s22] =	ssyncadd.s32 s4;
	_ =	sdelay $0x1  }
0xa1: {  	s23 =	simm.s32 $0x1B8B  }
0xa2: {  	_ =	swait.ge [sflag:s23], $0x1  }
0xa3: {  	[sflag:s23] =	ssyncset.done $0x0  }
0xa4: {  	s25 =	simm.s32 $0x1B8E;
	s24 =	sld [smem:$0x3FFE];
	[sflag:s23] =	ssyncadd.s32 $0xFFFFFFFF  }
0xa5: {  	s26 =	simm.s32 $execute0_lowered;
	[smem:$0x3FD2] =	sst s25  }
0xa6: {  	s5 =	sshll.u32 s26, $0x1;
	_ =	strace $0x80000046;
	[dreg:$0x1] =	wrdreg $0xFFFFFFFF  }
0xa7: {  	s28 =	simm.s32 $_size_execute0_lowered;
	s3 =	sadd.s32 s3, s5;
	[dreg:$0x0] =	wrdreg $0x0  }
0xa8: {  	s5 =	sshll.u32 s28, $0x1;
	[dreg:$0x2] =	wrdreg s3  }
0xa9: {  	[dreg:$0x3] =	wrdreg s5  }
0xaa: {  	[dreg:$0x4] =	wrdreg $0xC0  }
0xab: {  	_ =	task [dreg:s7], $0x5FFFF  }
0xac: {  	[dreg:$0x1] =	wrdreg $0xFFFFFFFF  }
0xad: {  	[dreg:$0x0] =	wrdreg $0x60  }
0xae: {  	[dreg:$0x2] =	wrdreg s24  }
0xaf: {  	[dreg:$0x3] =	wrdreg s2  }
0xb0: {  	[dreg:$0x4] =	wrdreg $0x9  }
0xb1: {  	_ =	task.clear_ibuf [dreg:s7], $0x5FFFF;
	_ =	strace $0x90000046  }
0xb2: {  	s29 =	simm.s32 $0x9;
	_ =	strace $0x80000048  }
0xb3: {  	_ =	swait.ge [sflag:s29], $0x1  }
0xb4: {  	[sflag:s29] =	ssyncadd.s32 $0xFFFFFFFF  }
0xb5: {  	_ =	strace $0x90000048  }
0xb6: {  	_ =	sfence  }
0xb7: {  	s30 =	sld [smem:$0x0];
	_ =	sdelay $0x2  }
0xb8: {  	s31 =	sshll.u32 s1, $0xD;
	s1 =	sshrl.u32 s1, $0x2  }
0xb9: {  	s3 =	sand.u32 $0x4000, s31;
	s1 =	sadd.s32 s1, s30  }
0xba: {  	s0 =	sor.u32 s3, s0;
	s1 =	sshll.u32 s1, $0x11  }
0xbb: {  	s0 =	sor.u32 s1, s0  }
0xbc: {  	s0 =	sadd.s32 $0x8F2B, s0  }
0xbd: {  	[sflag:s0] =	ssyncadd.remote.s32 $0x1  }
0xbe: {  	_ =	sfence.sel $0xFFFF  }
0xbf: {  	[dreg:$0x0] =	wrdreg $0xFFFFFFFF;
	(pc) =	sbr.abs _section_cstart, $3  }
0xc0: {  	[dreg:$0x1] =	wrdreg $0xFFFFFFFF  }
0xc1: {  	_ =	task.clear_ibuf [dreg:s7], $0x2FFFF;
	_ =	strace $0x9FFFFFFF  }
0xc2: {  	(tm) =	ssettm $0x7FFFFFFF  }
0xc3: {  	_ =	shalt  }
tec
execute0_lowered:
.L_overlay_start_1:
0x0: {  	(tag) =	ssettag $0x1  }
0x1: {  	s0 =	rddreg [dreg:$0x0]  }
0x2: {  	s1 =	rddreg [dreg:$0x1]  }
0x3: {  	s3 =	srdreg.scid;
	s4 =	stileid.u32  }
0x4: {  	s2 =	simm.s32 $0x0;
	s14 =	simm.s32 $0xC80;
	s15 =	simm.s32 $0x1  }
0x5: {  	s16 =	simm.s32 $0x640;
	s17 =	simm.s32 $0x1900;
	s18 =	simm.s32 $0x12C0  }
0x6: {  	s19 =	simm.s32 $0x3;
	s20 =	simm.s32 $0x2;
	s21 =	simm.s32 $0xE100  }
0x7: {  	s22 =	simm.s32 $0x1A900;
	s23 =	simm.s32 $0x5;
	s24 =	simm.s32 $0x0  }
0x8: {  	s3 =	sand.u32 $0x1, s3;
	s4 =	sshll.u32 s4, $0x1;
	[smem:$0x7FF] =	sst s2  }
0x9: {  	s5 =	sadd.s32 $0xF42C00, s0;
	s10 =	sor.u32 s3, s4;
	_ =	strace $0x80000047  }
0xa: {  	s6 =	ssub.s32 $0x2, s3;
	s3 =	sadd.s32 $0x64800, s0;
	s11 =	smul.u32 $0x19000, s10  }
.Ltmp0:
0xb: {  	s7 =	sshrl.u32 s6, $0x1;
	s12 =	sshll.u32 s10, $0xB;
	(pc) =	sbr.rel .LBB2_1-.Ltmp0, $4  }
0xc: {  	s4 =	sadd.s32 $0x800, s0;
	s31 =	ssub.s32 s6, s7;
	s12 =	sadd.s32 s1, s12  }
0xd: {  	s8 =	sshrl.u32 s11, $0x3;
	s10 =	sor.u32 $0xC80, s11;
	s11 =	sadd.s32 $0x12C0, s11  }
0xe: {  	s13 =	smax.u32 s31, $0x1;
	s6 =	sadd.s32 s3, s8;
	s9 =	sor.u32 $0xC8, s8  }
0xf: {  	s7 =	sadd.s32 s4, s8;
	s8 =	sadd.s32 s3, s9;
	s9 =	sadd.s32 s4, s9  }
.LBB2_12:
0x10: {  	s24 =	sadd.s32 $0x1, s24  }
0x11: {  	p0 =	sne.s32 s24, s13  }
.Ltmp1:
0x12: {  	_ = 	snop;
	(pc) =	sbr.rel @!p0 .LBB2_13-.Ltmp1, $4  }
0x13: {  	[hbm4b:s12+s2] =	stream.linear.scatter [tilespmem:s22], [sflag:$0x5], $0x4000, $0x38;
	[tilespmem:$0x1E900] =	vst v63  }
0x14: {  	_ =	swait.ge [sflag:s23], $0x4000  }
0x15: {  	[sflag:s23] =	ssyncset.done $0x0  }
0x16: {  	[sflag:s23] =	ssyncadd.s32 $0xFFFFC000  }
.LBB2_1:
0x17: {  	[tilespmem:s2], [sflag:$0x1] =	stream.linear.gather [hbm4b:s6+s2], $0x640, $0x38;
	[tilespmem:$0x1E900] =	vst v63  }
0x18: {  	_ = 	snop  }
0x19: {  	[tilespmem:s14], [sflag:$0x1] =	stream.linear.gather [hbm4b:s7+s2], $0x640, $0x38;
	[tilespmem:$0x1E900] =	vst v63  }
0x1a: {  	_ =	swait.ge [sflag:s15], $0x640  }
0x1b: {  	[sflag:s15] =	ssyncset.done $0x0  }
0x1c: {  	[sflag:s15] =	ssyncadd.s32 $0xFFFFF9C0  }
0x1d: {  	_ =	swait.ge [sflag:s15], $0x640  }
0x1e: {  	[sflag:s15] =	ssyncset.done $0x0  }
0x1f: {  	[sflag:s15] =	ssyncadd.s32 $0xFFFFF9C0  }
0x20: {  	[tilespmem:s17], [sflag:$0x3] =	stream.indirect.gather [hbm4b:s5+s16], $0x20, s2, s16, $0xb8;
	[tilespmem:$0x1E900] =	vst v63  }
0x21: {  	_ = 	snop  }
0x22: {  	[tilespmem:s16], [sflag:$0x2] =	stream.linear.gather [hbm4b:s8+s2], $0x640, $0x38;
	[tilespmem:$0x1E900] =	vst v63  }
0x23: {  	s25 =	simm.s32 $0x0  }
0x24: {  	[tilespmem:s18], [sflag:$0x2] =	stream.linear.gather [hbm4b:s9+s2], $0x640, $0x38;
	[tilespmem:$0x1E900] =	vst v63  }
.LBB2_2:
0x25: {  	_ =	swait.ge [sflag:s19], $0xC800  }
0x26: {  	[sflag:s19] =	ssyncset.done $0x0  }
0x27: {  	[sflag:s19] =	ssyncadd.s32 $0xFFFF3800  }
0x28: {  	_ =	swait.ge [sflag:s20], $0x640  }
0x29: {  	[sflag:s20] =	ssyncset.done $0x0  }
0x2a: {  	[sflag:s20] =	ssyncadd.s32 $0xFFFFF9C0  }
0x2b: {  	s0 =	sshll.u32 s25, $0xB;
	s26 =	simm.s32 $0x0;
	_ =	swait.ge [sflag:s20], $0x640  }
0x2c: {  	s28 =	simm.s32 $0xC80;
	s0 =	sshra.s32 s0, $0x2;
	[sflag:s20] =	ssyncset.done $0x0  }
0x2d: {  	s1 =	sadd.s32 $0x1A900, s0;
	s0 =	simm.s32 $0x1A00;
	[sflag:s20] =	ssyncadd.s32 $0xFFFFF9C0  }
0x2e: {  	v0 =	vmov s1;
	[tilespmem:s21], [sflag:$0x4] =	stream.indirect.gather [hbm4b:s5+s16], $0x20, s16, s16, $0xb8;
	[tilespmem:$0x1E900] =	vst v63  }
.LBB2_3:
0x2f: {  	v2 =	vmov s28;
	_ =	sdelay $0x3  }
0x30: {  	s1 =	simm.s32 $0x0;
	v1 =	vld [tilespmem:s0+$0xE0]  }
0x31: {  	v3 =	vld.idx.msk [tilespmem:v2+s1+$0x0 ss:$0x1], $0xffff  }
0x32: {  	v4 =	vld [tilespmem:s0+$0xFFFFFF00]  }
0x33: {  	v5 =	vld [tilespmem:s0+$0xFFFFFF10]  }
0x34: {  	v6 =	vld [tilespmem:s0+$0xFFFFFF20]  }
0x35: {  	v7 =	vld [tilespmem:s0+$0xFFFFFF30]  }
0x36: {  	v9 =	vld [tilespmem:s0+$0xFFFFFF40];
	v8 =	vbroadcast v3, $0x0  }
0x37: {  	v11 =	vld [tilespmem:s0+$0xFFFFFF50];
	v10 =	vbroadcast v3, $0x1  }
0x38: {  	v4 =	vmul.f32 v8, v4;
	v5 =	vmul.f32 v5, v8;
	v8 =	vld [tilespmem:s0+$0xFFFFFF60]  }
0x39: {  	v12 =	vimm.f32 $0.0e+00;
	v14 =	vld [tilespmem:s0+$0xFFFFFF70];
	v13 =	vbroadcast v3, $0x2;
	v6 =	vmul.f32 v6, v10  }
0x3a: {  	v7 =	vmul.f32 v7, v10;
	v10 =	vld [tilespmem:s0+$0xFFFFFF80];
	v4 =	vadd.f32 v4, v12;
	v5 =	vadd.f32 v5, v12  }
0x3b: {  	v15 =	vld [tilespmem:s0+$0xFFFFFF90];
	v9 =	vmul.f32 v9, v13;
	v12 =	vbroadcast v3, $0x3  }
0x3c: {  	v4 =	vadd.f32 v6, v4;
	v5 =	vadd.f32 v7, v5;
	v6 =	vmul.f32 v11, v13;
	v7 =	vld [tilespmem:s0+$0xFFFFFFA0]  }
0x3d: {  	v11 =	vbroadcast v3, $0x4;
	v13 =	vld [tilespmem:s0+$0xFFFFFFB0];
	v8 =	vmul.f32 v8, v12  }
0x3e: {  	v4 =	vadd.f32 v9, v4;
	v5 =	vadd.f32 v6, v5;
	v6 =	vmul.f32 v14, v12;
	v9 =	vld [tilespmem:s0+$0xFFFFFFC0]  }
0x3f: {  	v10 =	vmul.f32 v10, v11;
	v12 =	vbroadcast v3, $0x5;
	v14 =	vld [tilespmem:s0+$0xFFFFFFD0]  }
0x40: {  	v4 =	vadd.f32 v8, v4;
	v5 =	vadd.f32 v6, v5;
	v6 =	vmul.f32 v15, v11;
	v8 =	vld [tilespmem:s0+$0xFFFFFFE0]  }
0x41: {  	v11 =	vbroadcast v3, $0x6;
	v15 =	vld [tilespmem:s0+$0xFFFFFFF0];
	v7 =	vmul.f32 v7, v12  }
0x42: {  	v4 =	vadd.f32 v10, v4;
	v5 =	vadd.f32 v6, v5;
	v6 =	vmul.f32 v13, v12;
	v10 =	vld [tilespmem:s0+$0x0]  }
0x43: {  	v12 =	vbroadcast v3, $0x7;
	v13 =	vld [tilespmem:s0+$0x10];
	v9 =	vmul.f32 v9, v11  }
0x44: {  	v4 =	vadd.f32 v7, v4;
	v5 =	vadd.f32 v6, v5;
	v6 =	vmul.f32 v14, v11;
	v7 =	vld [tilespmem:s0+$0x20]  }
0x45: {  	v11 =	vbroadcast v3, $0x8;
	v14 =	vld [tilespmem:s0+$0x30];
	v8 =	vmul.f32 v8, v12  }
0x46: {  	v4 =	vadd.f32 v9, v4;
	v5 =	vadd.f32 v6, v5;
	v6 =	vmul.f32 v15, v12;
	v9 =	vld [tilespmem:s0+$0x40]  }
0x47: {  	v12 =	vbroadcast v3, $0x9;
	v15 =	vld [tilespmem:s0+$0x50];
	v10 =	vmul.f32 v10, v11  }
0x48: {  	v4 =	vadd.f32 v8, v4;
	v5 =	vadd.f32 v6, v5;
	v6 =	vmul.f32 v13, v11;
	v11 =	vld [tilespmem:s0+$0x60]  }
0x49: {  	v8 =	vbroadcast v3, $0xA;
	v13 =	vld [tilespmem:s0+$0x70];
	v7 =	vmul.f32 v7, v12  }
0x4a: {  	v4 =	vadd.f32 v10, v4;
	v5 =	vadd.f32 v6, v5;
	v6 =	vmul.f32 v14, v12;
	v10 =	vld [tilespmem:s0+$0x80]  }
0x4b: {  	v12 =	vbroadcast v3, $0xB;
	v14 =	vld [tilespmem:s0+$0x90];
	v9 =	vmul.f32 v9, v8  }
0x4c: {  	v4 =	vadd.f32 v7, v4;
	v6 =	vadd.f32 v6, v5;
	v7 =	vmul.f32 v15, v8;
	v8 =	vld [tilespmem:s0+$0xA0]  }
0x4d: {  	v15 =	vbroadcast v3, $0xC;
	v5 =	vld [tilespmem:s0+$0xB0];
	v11 =	vmul.f32 v11, v12  }
0x4e: {  	v12 =	vmul.f32 v13, v12;
	v4 =	vadd.f32 v9, v4;
	v16 =	vadd.f32 v7, v6;
	v7 =	vld [tilespmem:s0+$0xC0]  }
0x4f: {  	s30 =	smul.u32 $0xC8, s26;
	v9 =	vbroadcast v3, $0xD;
	v6 =	vld [tilespmem:s0+$0xD0];
	v10 =	vmul.f32 v10, v15  }
0x50: {  	s31 =	simm.s32 $0x80;
	s29 =	smov.u32 s0;
	s1 =	simm.s32 $0x10;
	v13 =	vmul.f32 v14, v15;
	v11 =	vadd.f32 v11, v4;
	v12 =	vadd.f32 v12, v16;
	v4 =	vld [tilespmem:s0+$0xF0]  }
.LBB2_4:
0x51: {  	p0 =	sne.s32 s31, $0x2C0;
	v14 =	vld.idx.msk [tilespmem:v2+s1+$0x0 ss:$0x1], $0xffff;
	v8 =	vmul.f32 v8, v9;
	v15 =	vbroadcast v3, $0xE;
	s29 =	sadd.s32 $0x200, s29  }
0x52: {  	v16 =	vld [tilespmem:s29+$0xE0];
	v10 =	vadd.f32 v10, v11;
	v11 =	vadd.f32 v13, v12;
	v5 =	vmul.f32 v5, v9  }
0x53: {  	v3 =	vbroadcast v3, $0xF;
	v9 =	vld [tilespmem:s29+$0xFFFFFF00];
	v7 =	vmul.f32 v7, v15  }
0x54: {  	v12 =	vld [tilespmem:s29+$0xFFFFFF10];
	v8 =	vadd.f32 v8, v10;
	v5 =	vadd.f32 v5, v11;
	v6 =	vmul.f32 v6, v15  }
0x55: {  	v11 =	vmul.f32 v1, v3;
	v10 =	vld [tilespmem:s29+$0xFFFFFF20]  }
0x56: {  	v4 =	vmul.f32 v4, v3;
	v13 =	vld [tilespmem:s29+$0xFFFFFF30];
	v7 =	vadd.f32 v7, v8;
	v5 =	vadd.f32 v6, v5  }
0x57: {  	v6 =	vbroadcast v14, $0x0;
	v3 =	vmov v14;
	v8 =	vld [tilespmem:s29+$0xFFFFFF40];
	v1 =	vmov v16  }
0x58: {  	v14 =	vbroadcast v3, $0x1;
	v15 =	vld [tilespmem:s29+$0xFFFFFF50];
	v7 =	vadd.f32 v11, v7;
	v4 =	vadd.f32 v4, v5  }
0x59: {  	v5 =	vmul.f32 v6, v9;
	v6 =	vmul.f32 v12, v6;
	v9 =	vld [tilespmem:s29+$0xFFFFFF60]  }
0x5a: {  	v11 =	vbroadcast v3, $0x2;
	v10 =	vmul.f32 v10, v14;
	v12 =	vld [tilespmem:s29+$0xFFFFFF70]  }
0x5b: {  	v5 =	vadd.f32 v5, v7;
	v4 =	vadd.f32 v6, v4;
	v6 =	vmul.f32 v13, v14;
	v7 =	vld [tilespmem:s29+$0xFFFFFF80]  }
0x5c: {  	v13 =	vbroadcast v3, $0x3;
	v8 =	vmul.f32 v8, v11;
	v14 =	vld [tilespmem:s29+$0xFFFFFF90]  }
0x5d: {  	v5 =	vadd.f32 v10, v5;
	v4 =	vadd.f32 v6, v4;
	v6 =	vmul.f32 v15, v11;
	v10 =	vld [tilespmem:s29+$0xFFFFFFA0]  }
0x5e: {  	v11 =	vbroadcast v3, $0x4;
	v9 =	vmul.f32 v9, v13;
	v15 =	vld [tilespmem:s29+$0xFFFFFFB0]  }
0x5f: {  	v5 =	vadd.f32 v8, v5;
	v4 =	vadd.f32 v6, v4;
	v6 =	vmul.f32 v12, v13;
	v8 =	vld [tilespmem:s29+$0xFFFFFFC0]  }
0x60: {  	v12 =	vbroadcast v3, $0x5;
	v7 =	vmul.f32 v7, v11;
	v13 =	vld [tilespmem:s29+$0xFFFFFFD0]  }
0x61: {  	v5 =	vadd.f32 v9, v5;
	v4 =	vadd.f32 v6, v4;
	v6 =	vmul.f32 v14, v11;
	v9 =	vld [tilespmem:s29+$0xFFFFFFE0]  }
0x62: {  	v11 =	vbroadcast v3, $0x6;
	v10 =	vmul.f32 v10, v12;
	v14 =	vld [tilespmem:s29+$0xFFFFFFF0]  }
0x63: {  	v5 =	vadd.f32 v7, v5;
	v4 =	vadd.f32 v6, v4;
	v6 =	vmul.f32 v15, v12;
	v7 =	vld [tilespmem:s29+$0x0]  }
0x64: {  	v12 =	vbroadcast v3, $0x7;
	v8 =	vmul.f32 v8, v11;
	v15 =	vld [tilespmem:s29+$0x10]  }
0x65: {  	v5 =	vadd.f32 v10, v5;
	v4 =	vadd.f32 v6, v4;
	v6 =	vmul.f32 v13, v11;
	v10 =	vld [tilespmem:s29+$0x20]  }
0x66: {  	v11 =	vbroadcast v3, $0x8;
	v9 =	vmul.f32 v9, v12;
	v13 =	vld [tilespmem:s29+$0x30]  }
0x67: {  	v5 =	vadd.f32 v8, v5;
	v4 =	vadd.f32 v6, v4;
	v6 =	vmul.f32 v14, v12;
	v8 =	vld [tilespmem:s29+$0x40]  }
0x68: {  	v12 =	vbroadcast v3, $0x9;
	v7 =	vmul.f32 v7, v11;
	v14 =	vld [tilespmem:s29+$0x50]  }
0x69: {  	v5 =	vadd.f32 v9, v5;
	v4 =	vadd.f32 v6, v4;
	v6 =	vmul.f32 v15, v11;
	v9 =	vld [tilespmem:s29+$0x60]  }
0x6a: {  	v11 =	vbroadcast v3, $0xA;
	v10 =	vmul.f32 v10, v12;
	v15 =	vld [tilespmem:s29+$0x70]  }
0x6b: {  	v5 =	vadd.f32 v7, v5;
	v4 =	vadd.f32 v6, v4;
	v6 =	vmul.f32 v13, v12;
	v12 =	vld [tilespmem:s29+$0x80]  }
0x6c: {  	v13 =	vbroadcast v3, $0xB;
	v7 =	vmul.f32 v8, v11;
	v16 =	vld [tilespmem:s29+$0x90]  }
.Ltmp2:
0x6d: {  	v10 =	vadd.f32 v10, v5;
	v4 =	vadd.f32 v6, v4;
	v6 =	vmul.f32 v14, v11;
	v8 =	vld [tilespmem:s29+$0xA0];
	(pc) =	sbr.rel @p0 .LBB2_4-.Ltmp2, $4  }
0x6e: {  	v14 =	vbroadcast v3, $0xC;
	v11 =	vmul.f32 v9, v13;
	v5 =	vld [tilespmem:s29+$0xB0]  }
0x6f: {  	v17 =	vadd.f32 v7, v10;
	v4 =	vadd.f32 v6, v4;
	v13 =	vmul.f32 v15, v13;
	v7 =	vld [tilespmem:s29+$0xC0]  }
0x70: {  	v9 =	vbroadcast v3, $0xD;
	v10 =	vmul.f32 v12, v14;
	v6 =	vld [tilespmem:s29+$0xD0]  }
0x71: {  	s1 =	sshra.s32 s31, $0x2;
	s31 =	sadd.s32 $0x40, s31;
	v11 =	vadd.f32 v11, v17;
	v12 =	vadd.f32 v13, v4;
	v13 =	vmul.f32 v16, v14;
	v4 =	vld [tilespmem:s29+$0xF0]  }
0x72: {  	_ =	sdelay $0x3  }
0x73: {  	v2 =	vld.idx.msk [tilespmem:v2+s1+$0x0 ss:$0x1], $0xffff;
	s29 =	sadd.s32 $0x200, s29  }
0x74: {  	v8 =	vmul.f32 v8, v9;
	v14 =	vbroadcast v3, $0xE;
	v15 =	vld [tilespmem:s29+$0xE0];
	v10 =	vadd.f32 v10, v11  }
0x75: {  	v16 =	vadd.f32 v13, v12;
	v5 =	vmul.f32 v5, v9;
	v17 =	vld [tilespmem:s29+$0xFFFFFF00]  }
0x76: {  	v3 =	vbroadcast v3, $0xF;
	v18 =	vld [tilespmem:s29+$0xFFFFFF10];
	v7 =	vmul.f32 v7, v14;
	v8 =	vadd.f32 v8, v10  }
0x77: {  	v19 =	vld [tilespmem:s29+$0xFFFFFF20];
	v5 =	vadd.f32 v5, v16;
	v6 =	vmul.f32 v6, v14  }
0x78: {  	v20 =	vld [tilespmem:s29+$0xFFFFFF30];
	v1 =	vmul.f32 v1, v3;
	v7 =	vadd.f32 v7, v8;
	v21 =	vbroadcast v2, $0x0  }
0x79: {  	v22 =	vld [tilespmem:s29+$0xFFFFFF40];
	v3 =	vmul.f32 v4, v3;
	v5 =	vadd.f32 v6, v5  }
0x7a: {  	v24 =	vld [tilespmem:s29+$0xFFFFFF50];
	v23 =	vbroadcast v2, $0x1;
	v1 =	vadd.f32 v1, v7;
	v25 =	vmul.f32 v21, v17  }
0x7b: {  	v27 =	vld [tilespmem:s29+$0xFFFFFF60];
	v3 =	vadd.f32 v3, v5;
	v26 =	vmul.f32 v18, v21  }
0x7c: {  	v30 =	vld [tilespmem:s29+$0xFFFFFF70];
	v29 =	vbroadcast v2, $0x2;
	v28 =	vmul.f32 v19, v23;
	v1 =	vadd.f32 v25, v1  }
0x7d: {  	v32 =	vld [tilespmem:s29+$0xFFFFFF80];
	v31 =	vmul.f32 v20, v23;
	v3 =	vadd.f32 v26, v3  }
0x7e: {  	v34 =	vld [tilespmem:s29+$0xFFFFFF90];
	v33 =	vbroadcast v2, $0x3;
	v4 =	vmul.f32 v22, v29;
	v1 =	vadd.f32 v28, v1  }
0x7f: {  	v36 =	vld [tilespmem:s29+$0xFFFFFFA0];
	v35 =	vmul.f32 v24, v29;
	v3 =	vadd.f32 v31, v3  }
0x80: {  	v38 =	vld [tilespmem:s29+$0xFFFFFFB0];
	v37 =	vbroadcast v2, $0x4;
	v8 =	vmul.f32 v27, v33;
	v1 =	vadd.f32 v4, v1  }
0x81: {  	v40 =	vld [tilespmem:s29+$0xFFFFFFC0];
	v39 =	vmul.f32 v30, v33;
	v3 =	vadd.f32 v35, v3  }
0x82: {  	v42 =	vld [tilespmem:s29+$0xFFFFFFD0];
	v41 =	vbroadcast v2, $0x5;
	v6 =	vmul.f32 v32, v37;
	v1 =	vadd.f32 v8, v1  }
0x83: {  	v44 =	vld [tilespmem:s29+$0xFFFFFFE0];
	v43 =	vmul.f32 v34, v37;
	v3 =	vadd.f32 v39, v3  }
0x84: {  	v46 =	vld [tilespmem:s29+$0xFFFFFFF0];
	v45 =	vbroadcast v2, $0x6;
	v9 =	vmul.f32 v36, v41;
	v1 =	vadd.f32 v6, v1  }
0x85: {  	v48 =	vld [tilespmem:s29+$0x0];
	v47 =	vmul.f32 v38, v41;
	v3 =	vadd.f32 v43, v3  }
0x86: {  	v50 =	vld [tilespmem:s29+$0x10];
	v49 =	vbroadcast v2, $0x7;
	v5 =	vmul.f32 v40, v45;
	v1 =	vadd.f32 v9, v1  }
0x87: {  	v52 =	vld [tilespmem:s29+$0x20];
	v51 =	vmul.f32 v42, v45;
	v3 =	vadd.f32 v47, v3  }
0x88: {  	v54 =	vld [tilespmem:s29+$0x30];
	v53 =	vbroadcast v2, $0x8;
	v8 =	vmul.f32 v44, v49;
	v1 =	vadd.f32 v5, v1  }
0x89: {  	v56 =	vld [tilespmem:s29+$0x40];
	v55 =	vmul.f32 v46, v49;
	v3 =	vadd.f32 v51, v3  }
0x8a: {  	v58 =	vld [tilespmem:s29+$0x50];
	v57 =	vbroadcast v2, $0x9;
	v6 =	vmul.f32 v48, v53;
	v1 =	vadd.f32 v8, v1  }
0x8b: {  	v60 =	vld [tilespmem:s29+$0x60];
	v59 =	vmul.f32 v50, v53;
	v3 =	vadd.f32 v55, v3  }
0x8c: {  	v62 =	vld [tilespmem:s29+$0x70];
	v61 =	vbroadcast v2, $0xA;
	v9 =	vmul.f32 v52, v57;
	v1 =	vadd.f32 v6, v1  }
0x8d: {  	v16 =	vld [tilespmem:s29+$0x80];
	v63 =	vmul.f32 v54, v57;
	v3 =	vadd.f32 v59, v3  }
0x8e: {  	v17 =	vbroadcast v2, $0xB;
	v18 =	vld [tilespmem:s29+$0x90];
	v5 =	vmul.f32 v56, v61;
	v1 =	vadd.f32 v9, v1  }
0x8f: {  	v19 =	vmul.f32 v58, v61;
	v20 =	vld [tilespmem:s29+$0xA0];
	v3 =	vadd.f32 v63, v3  }
0x90: {  	v21 =	vbroadcast v2, $0xC;
	v22 =	vld [tilespmem:s29+$0xB0];
	v8 =	vmul.f32 v60, v17;
	v1 =	vadd.f32 v5, v1  }
0x91: {  	v24 =	vld [tilespmem:s29+$0xC0];
	v23 =	vmul.f32 v62, v17;
	v3 =	vadd.f32 v19, v3  }
0x92: {  	s31 =	smul.u32 $0x6400, s26;
	v25 =	vbroadcast v2, $0xD;
	v26 =	vld [tilespmem:s29+$0xD0];
	v6 =	vmul.f32 v16, v21;
	v1 =	vadd.f32 v8, v1  }
0x93: {  	v28 =	vld [tilespmem:s30+$0xD38];
	v27 =	vmul.f32 v18, v21;
	v3 =	vadd.f32 v23, v3  }
0x94: {  	s1 =	sshra.s32 s31, $0x2;
	v29 =	vld [tilespmem:s29+$0xF0];
	v30 =	vbroadcast v2, $0xE;
	v9 =	vmul.f32 v20, v25;
	v1 =	vadd.f32 v6, v1  }
0x95: {  	v32 =	vld [tilespmem:s1+$0x3100];
	v31 =	vmul.f32 v22, v25;
	v3 =	vadd.f32 v27, v3  }
0x96: {  	v33 =	vld [tilespmem:s1+$0x3110];
	v2 =	vbroadcast v2, $0xF;
	v5 =	vmul.f32 v24, v30;
	v1 =	vadd.f32 v9, v1  }
0x97: {  	v35 =	vld [tilespmem:s1+$0x3120];
	v34 =	vmul.f32 v26, v30;
	v3 =	vadd.f32 v31, v3  }
0x98: {  	v38 =	vld [tilespmem:s1+$0x3130];
	v36 =	vmul.f32 v15, v2;
	v37 =	vbroadcast v28, $0x8;
	v1 =	vadd.f32 v5, v1  }
0x99: {  	v2 =	vmul.f32 v29, v2;
	v39 =	vld [tilespmem:s1+$0x3140];
	v3 =	vadd.f32 v34, v3  }
0x9a: {  	v41 =	vld [tilespmem:s1+$0x3150];
	v40 =	vbroadcast v28, $0x9;
	v6 =	vmul.f32 v37, v32;
	v1 =	vadd.f32 v36, v1  }
0x9b: {  	v42 =	vld [tilespmem:s1+$0x3160];
	v2 =	vadd.f32 v2, v3;
	v3 =	vmul.f32 v33, v37  }
0x9c: {  	v45 =	vld [tilespmem:s1+$0x3170];
	v44 =	vbroadcast v28, $0xA;
	v43 =	vmul.f32 v35, v40;
	v1 =	vadd.f32 v6, v1  }
0x9d: {  	v46 =	vld [tilespmem:s1+$0x3180];
	v2 =	vadd.f32 v3, v2;
	v3 =	vmul.f32 v38, v40  }
0x9e: {  	v48 =	vld [tilespmem:s1+$0x3190];
	v47 =	vbroadcast v28, $0xB;
	v4 =	vmul.f32 v39, v44;
	v1 =	vadd.f32 v43, v1  }
0x9f: {  	v49 =	vld [tilespmem:s1+$0x31A0];
	v2 =	vadd.f32 v3, v2;
	v3 =	vmul.f32 v41, v44  }
0xa0: {  	v52 =	vld [tilespmem:s1+$0x31B0];
	v50 =	vmul.f32 v42, v47;
	v51 =	vbroadcast v28, $0xC;
	v1 =	vadd.f32 v4, v1  }
0xa1: {  	v53 =	vld [tilespmem:s1+$0x31C0];
	v2 =	vadd.f32 v3, v2;
	v3 =	vmul.f32 v45, v47  }
0xa2: {  	v56 =	vld [tilespmem:s1+$0x31D0];
	v54 =	vmul.f32 v46, v51;
	v55 =	vbroadcast v28, $0xD;
	v1 =	vadd.f32 v50, v1  }
0xa3: {  	v57 =	vld [tilespmem:s1+$0x31E0];
	v2 =	vadd.f32 v3, v2;
	v3 =	vmul.f32 v48, v51  }
0xa4: {  	v60 =	vld [tilespmem:s1+$0x31F0];
	v58 =	vmul.f32 v49, v55;
	v59 =	vbroadcast v28, $0xE;
	v1 =	vadd.f32 v54, v1  }
0xa5: {  	v2 =	vadd.f32 v3, v2;
	v3 =	vmul.f32 v52, v55  }
0xa6: {  	v62 =	vbroadcast v28, $0xF;
	v61 =	vmul.f32 v53, v59;
	v1 =	vadd.f32 v58, v1  }
0xa7: {  	s31 =	sshll.u32 s26, $0x5;
	s26 =	sadd.s32 $0x1, s26;
	v2 =	vadd.f32 v3, v2;
	v3 =	vmul.f32 v56, v59  }
0xa8: {  	p0 =	sne.s32 s26, $0x8;
	v63 =	vmul.f32 v57, v62;
	v1 =	vadd.f32 v61, v1  }
.Ltmp3:
0xa9: {  	v2 =	vadd.f32 v3, v2;
	v3 =	vmul.f32 v60, v62;
	(pc) =	sbr.rel @p0 .LBB2_3-.Ltmp3, $4  }
0xaa: {  	v1 =	vadd.f32 v63, v1  }
0xab: {  	s1 =	sand.u32 $0x3FFFFFE0, s31;
	v2 =	vadd.f32 v3, v2  }
0xac: {  	[tilespmem:v0+s1+$0x0 ss:$0x1] =	vst.idx.msk $0xffff, v1  }
0xad: {  	s28 =	sadd.s32 $0xC8, s28;
	s0 =	sadd.s32 $0x1900, s0;
	[tilespmem:v0+s1+$0x10 ss:$0x1] =	vst.idx.msk $0xffff, v2  }
0xae: {  	p0 =	seq.s32 s25, $0x1F  }
0xaf: {  	s0 =	smul.u32 @!p0 $0xC80, s25  }
0xb0: {  	s1 =	simm.s32 @p0 $0x4  }
0xb1: {  	_ =	swait.ge @p0 [sflag:s1], $0xC800;
	s0 =	sadd.s32 @!p0 s0, s10  }
0xb2: {  	[sflag:s1] =	ssyncset.done @p0 $0x0;
	s0 =	sshrl.u32 @!p0 s0, $0x3  }
0xb3: {  	s26 =	simm.s32 @!p0 $0x0;
	[sflag:s1] =	ssyncadd.s32 @p0 $0xFFFF3800;
	s1 =	sadd.s32 @!p0 s3, s0  }
0xb4: {  	[tilespmem:s26], [sflag:$0x1] =	stream.linear.gather @!p0 [hbm4b:s1+s26], $0x640, $0x38;
	[tilespmem:$0x1E900] =	vst v63  }
0xb5: {  	s0 =	sadd.s32 @!p0 s4, s0;
	s1 =	simm.s32 @!p0 $0xC80  }
0xb6: {  	[tilespmem:s1], [sflag:$0x1] =	stream.linear.gather @!p0 [hbm4b:s0+s26], $0x640, $0x38;
	[tilespmem:$0x1E900] =	vst v63  }
0xb7: {  	s0 =	simm.s32 @!p0 $0x4  }
0xb8: {  	_ =	swait.ge @!p0 [sflag:s0], $0xC800  }
0xb9: {  	[sflag:s0] =	ssyncset.done @!p0 $0x0  }
0xba: {  	[sflag:s0] =	ssyncadd.s32 @!p0 $0xFFFF3800;
	s0 =	simm.s32 @!p0 $0x1  }
0xbb: {  	_ =	swait.ge @!p0 [sflag:s0], $0x640  }
0xbc: {  	[sflag:s0] =	ssyncset.done @!p0 $0x0  }
0xbd: {  	[sflag:s0] =	ssyncadd.s32 @!p0 $0xFFFFF9C0  }
0xbe: {  	_ =	swait.ge @!p0 [sflag:s0], $0x640  }
0xbf: {  	[sflag:s0] =	ssyncset.done @!p0 $0x0  }
0xc0: {  	s1 =	simm.s32 @!p0 $0x1900;
	[sflag:s0] =	ssyncadd.s32 @!p0 $0xFFFFF9C0;
	s0 =	simm.s32 @!p0 $0x640  }
0xc1: {  	[tilespmem:s1], [sflag:$0x3] =	stream.indirect.gather @!p0 [hbm4b:s5+s0], $0x20, s26, s0, $0xb8;
	[tilespmem:$0x1E900] =	vst v63  }
0xc2: {  	s28 =	simm.s32 $0x12C0;
	s29 =	simm.s32 $0xE200;
	s26 =	simm.s32 $0x0  }
.LBB2_7:
0xc3: {  	v2 =	vmov s28;
	_ =	sdelay $0x3  }
0xc4: {  	s0 =	simm.s32 $0x0;
	v1 =	vld [tilespmem:s29+$0xE0]  }
0xc5: {  	v3 =	vld.idx.msk [tilespmem:v2+s0+$0x0 ss:$0x1], $0xffff  }
0xc6: {  	v4 =	vld [tilespmem:s29+$0xFFFFFF00]  }
0xc7: {  	v5 =	vld [tilespmem:s29+$0xFFFFFF10]  }
0xc8: {  	v6 =	vld [tilespmem:s29+$0xFFFFFF20]  }
0xc9: {  	v7 =	vld [tilespmem:s29+$0xFFFFFF30]  }
0xca: {  	v9 =	vld [tilespmem:s29+$0xFFFFFF40];
	v8 =	vbroadcast v3, $0x0  }
0xcb: {  	v11 =	vld [tilespmem:s29+$0xFFFFFF50];
	v10 =	vbroadcast v3, $0x1  }
0xcc: {  	v4 =	vmul.f32 v8, v4;
	v5 =	vmul.f32 v5, v8;
	v8 =	vld [tilespmem:s29+$0xFFFFFF60]  }
0xcd: {  	v12 =	vimm.f32 $0.0e+00;
	v14 =	vld [tilespmem:s29+$0xFFFFFF70];
	v13 =	vbroadcast v3, $0x2;
	v6 =	vmul.f32 v6, v10  }
0xce: {  	v7 =	vmul.f32 v7, v10;
	v10 =	vld [tilespmem:s29+$0xFFFFFF80];
	v4 =	vadd.f32 v4, v12;
	v5 =	vadd.f32 v5, v12  }
0xcf: {  	v15 =	vld [tilespmem:s29+$0xFFFFFF90];
	v9 =	vmul.f32 v9, v13;
	v12 =	vbroadcast v3, $0x3  }
0xd0: {  	v4 =	vadd.f32 v6, v4;
	v5 =	vadd.f32 v7, v5;
	v6 =	vmul.f32 v11, v13;
	v7 =	vld [tilespmem:s29+$0xFFFFFFA0]  }
0xd1: {  	v11 =	vbroadcast v3, $0x4;
	v13 =	vld [tilespmem:s29+$0xFFFFFFB0];
	v8 =	vmul.f32 v8, v12  }
0xd2: {  	v4 =	vadd.f32 v9, v4;
	v5 =	vadd.f32 v6, v5;
	v6 =	vmul.f32 v14, v12;
	v9 =	vld [tilespmem:s29+$0xFFFFFFC0]  }
0xd3: {  	v10 =	vmul.f32 v10, v11;
	v12 =	vbroadcast v3, $0x5;
	v14 =	vld [tilespmem:s29+$0xFFFFFFD0]  }
0xd4: {  	v4 =	vadd.f32 v8, v4;
	v5 =	vadd.f32 v6, v5;
	v6 =	vmul.f32 v15, v11;
	v8 =	vld [tilespmem:s29+$0xFFFFFFE0]  }
0xd5: {  	v11 =	vbroadcast v3, $0x6;
	v15 =	vld [tilespmem:s29+$0xFFFFFFF0];
	v7 =	vmul.f32 v7, v12  }
0xd6: {  	v4 =	vadd.f32 v10, v4;
	v5 =	vadd.f32 v6, v5;
	v6 =	vmul.f32 v13, v12;
	v10 =	vld [tilespmem:s29+$0x0]  }
0xd7: {  	v12 =	vbroadcast v3, $0x7;
	v13 =	vld [tilespmem:s29+$0x10];
	v9 =	vmul.f32 v9, v11  }
0xd8: {  	v4 =	vadd.f32 v7, v4;
	v5 =	vadd.f32 v6, v5;
	v6 =	vmul.f32 v14, v11;
	v7 =	vld [tilespmem:s29+$0x20]  }
0xd9: {  	v11 =	vbroadcast v3, $0x8;
	v14 =	vld [tilespmem:s29+$0x30];
	v8 =	vmul.f32 v8, v12  }
0xda: {  	v4 =	vadd.f32 v9, v4;
	v5 =	vadd.f32 v6, v5;
	v6 =	vmul.f32 v15, v12;
	v9 =	vld [tilespmem:s29+$0x40]  }
0xdb: {  	v12 =	vbroadcast v3, $0x9;
	v15 =	vld [tilespmem:s29+$0x50];
	v10 =	vmul.f32 v10, v11  }
0xdc: {  	v4 =	vadd.f32 v8, v4;
	v5 =	vadd.f32 v6, v5;
	v6 =	vmul.f32 v13, v11;
	v11 =	vld [tilespmem:s29+$0x60]  }
0xdd: {  	v8 =	vbroadcast v3, $0xA;
	v13 =	vld [tilespmem:s29+$0x70];
	v7 =	vmul.f32 v7, v12  }
0xde: {  	v4 =	vadd.f32 v10, v4;
	v5 =	vadd.f32 v6, v5;
	v6 =	vmul.f32 v14, v12;
	v10 =	vld [tilespmem:s29+$0x80]  }
0xdf: {  	v12 =	vbroadcast v3, $0xB;
	v14 =	vld [tilespmem:s29+$0x90];
	v9 =	vmul.f32 v9, v8  }
0xe0: {  	v4 =	vadd.f32 v7, v4;
	v6 =	vadd.f32 v6, v5;
	v7 =	vmul.f32 v15, v8;
	v8 =	vld [tilespmem:s29+$0xA0]  }
0xe1: {  	v15 =	vbroadcast v3, $0xC;
	v5 =	vld [tilespmem:s29+$0xB0];
	v11 =	vmul.f32 v11, v12  }
0xe2: {  	v12 =	vmul.f32 v13, v12;
	v4 =	vadd.f32 v9, v4;
	v16 =	vadd.f32 v7, v6;
	v7 =	vld [tilespmem:s29+$0xC0]  }
0xe3: {  	s30 =	smul.u32 $0xC8, s26;
	v9 =	vbroadcast v3, $0xD;
	v6 =	vld [tilespmem:s29+$0xD0];
	v10 =	vmul.f32 v10, v15  }
0xe4: {  	s1 =	simm.s32 $0x10;
	s31 =	simm.s32 $0x80;
	s0 =	smov.u32 s29;
	v13 =	vmul.f32 v14, v15;
	v11 =	vadd.f32 v11, v4;
	v12 =	vadd.f32 v12, v16;
	v4 =	vld [tilespmem:s29+$0xF0]  }
.LBB2_8:
0xe5: {  	p1 =	sne.s32 s31, $0x2C0;
	v14 =	vld.idx.msk [tilespmem:v2+s1+$0x0 ss:$0x1], $0xffff;
	v8 =	vmul.f32 v8, v9;
	v15 =	vbroadcast v3, $0xE;
	s0 =	sadd.s32 $0x200, s0  }
0xe6: {  	v16 =	vld [tilespmem:s0+$0xE0];
	v10 =	vadd.f32 v10, v11;
	v11 =	vadd.f32 v13, v12;
	v5 =	vmul.f32 v5, v9  }
0xe7: {  	v3 =	vbroadcast v3, $0xF;
	v9 =	vld [tilespmem:s0+$0xFFFFFF00];
	v7 =	vmul.f32 v7, v15  }
0xe8: {  	v12 =	vld [tilespmem:s0+$0xFFFFFF10];
	v8 =	vadd.f32 v8, v10;
	v5 =	vadd.f32 v5, v11;
	v6 =	vmul.f32 v6, v15  }
0xe9: {  	v11 =	vmul.f32 v1, v3;
	v10 =	vld [tilespmem:s0+$0xFFFFFF20]  }
0xea: {  	v4 =	vmul.f32 v4, v3;
	v13 =	vld [tilespmem:s0+$0xFFFFFF30];
	v7 =	vadd.f32 v7, v8;
	v5 =	vadd.f32 v6, v5  }
0xeb: {  	v6 =	vbroadcast v14, $0x0;
	v3 =	vmov v14;
	v8 =	vld [tilespmem:s0+$0xFFFFFF40];
	v1 =	vmov v16  }
0xec: {  	v14 =	vbroadcast v3, $0x1;
	v15 =	vld [tilespmem:s0+$0xFFFFFF50];
	v7 =	vadd.f32 v11, v7;
	v4 =	vadd.f32 v4, v5  }
0xed: {  	v5 =	vmul.f32 v6, v9;
	v6 =	vmul.f32 v12, v6;
	v9 =	vld [tilespmem:s0+$0xFFFFFF60]  }
0xee: {  	v11 =	vbroadcast v3, $0x2;
	v10 =	vmul.f32 v10, v14;
	v12 =	vld [tilespmem:s0+$0xFFFFFF70]  }
0xef: {  	v5 =	vadd.f32 v5, v7;
	v4 =	vadd.f32 v6, v4;
	v6 =	vmul.f32 v13, v14;
	v7 =	vld [tilespmem:s0+$0xFFFFFF80]  }
0xf0: {  	v13 =	vbroadcast v3, $0x3;
	v8 =	vmul.f32 v8, v11;
	v14 =	vld [tilespmem:s0+$0xFFFFFF90]  }
0xf1: {  	v5 =	vadd.f32 v10, v5;
	v4 =	vadd.f32 v6, v4;
	v6 =	vmul.f32 v15, v11;
	v10 =	vld [tilespmem:s0+$0xFFFFFFA0]  }
0xf2: {  	v11 =	vbroadcast v3, $0x4;
	v9 =	vmul.f32 v9, v13;
	v15 =	vld [tilespmem:s0+$0xFFFFFFB0]  }
0xf3: {  	v5 =	vadd.f32 v8, v5;
	v4 =	vadd.f32 v6, v4;
	v6 =	vmul.f32 v12, v13;
	v8 =	vld [tilespmem:s0+$0xFFFFFFC0]  }
0xf4: {  	v12 =	vbroadcast v3, $0x5;
	v7 =	vmul.f32 v7, v11;
	v13 =	vld [tilespmem:s0+$0xFFFFFFD0]  }
0xf5: {  	v5 =	vadd.f32 v9, v5;
	v4 =	vadd.f32 v6, v4;
	v6 =	vmul.f32 v14, v11;
	v9 =	vld [tilespmem:s0+$0xFFFFFFE0]  }
0xf6: {  	v11 =	vbroadcast v3, $0x6;
	v10 =	vmul.f32 v10, v12;
	v14 =	vld [tilespmem:s0+$0xFFFFFFF0]  }
0xf7: {  	v5 =	vadd.f32 v7, v5;
	v4 =	vadd.f32 v6, v4;
	v6 =	vmul.f32 v15, v12;
	v7 =	vld [tilespmem:s0+$0x0]  }
0xf8: {  	v12 =	vbroadcast v3, $0x7;
	v8 =	vmul.f32 v8, v11;
	v15 =	vld [tilespmem:s0+$0x10]  }
0xf9: {  	v5 =	vadd.f32 v10, v5;
	v4 =	vadd.f32 v6, v4;
	v6 =	vmul.f32 v13, v11;
	v10 =	vld [tilespmem:s0+$0x20]  }
0xfa: {  	v11 =	vbroadcast v3, $0x8;
	v9 =	vmul.f32 v9, v12;
	v13 =	vld [tilespmem:s0+$0x30]  }
0xfb: {  	v5 =	vadd.f32 v8, v5;
	v4 =	vadd.f32 v6, v4;
	v6 =	vmul.f32 v14, v12;
	v8 =	vld [tilespmem:s0+$0x40]  }
0xfc: {  	v12 =	vbroadcast v3, $0x9;
	v7 =	vmul.f32 v7, v11;
	v14 =	vld [tilespmem:s0+$0x50]  }
0xfd: {  	v5 =	vadd.f32 v9, v5;
	v4 =	vadd.f32 v6, v4;
	v6 =	vmul.f32 v15, v11;
	v9 =	vld [tilespmem:s0+$0x60]  }
0xfe: {  	v11 =	vbroadcast v3, $0xA;
	v10 =	vmul.f32 v10, v12;
	v15 =	vld [tilespmem:s0+$0x70]  }
0xff: {  	v5 =	vadd.f32 v7, v5;
	v4 =	vadd.f32 v6, v4;
	v6 =	vmul.f32 v13, v12;
	v12 =	vld [tilespmem:s0+$0x80]  }
0x100: {  	v13 =	vbroadcast v3, $0xB;
	v7 =	vmul.f32 v8, v11;
	v16 =	vld [tilespmem:s0+$0x90]  }
.Ltmp4:
0x101: {  	v10 =	vadd.f32 v10, v5;
	v4 =	vadd.f32 v6, v4;
	v6 =	vmul.f32 v14, v11;
	v8 =	vld [tilespmem:s0+$0xA0];
	(pc) =	sbr.rel @p1 .LBB2_8-.Ltmp4, $4  }
0x102: {  	v14 =	vbroadcast v3, $0xC;
	v11 =	vmul.f32 v9, v13;
	v5 =	vld [tilespmem:s0+$0xB0]  }
0x103: {  	v17 =	vadd.f32 v7, v10;
	v4 =	vadd.f32 v6, v4;
	v13 =	vmul.f32 v15, v13;
	v7 =	vld [tilespmem:s0+$0xC0]  }
0x104: {  	v9 =	vbroadcast v3, $0xD;
	v10 =	vmul.f32 v12, v14;
	v6 =	vld [tilespmem:s0+$0xD0]  }
0x105: {  	s1 =	sshra.s32 s31, $0x2;
	s31 =	sadd.s32 $0x40, s31;
	v11 =	vadd.f32 v11, v17;
	v12 =	vadd.f32 v13, v4;
	v13 =	vmul.f32 v16, v14;
	v4 =	vld [tilespmem:s0+$0xF0]  }
0x106: {  	_ =	sdelay $0x3  }
0x107: {  	v2 =	vld.idx.msk [tilespmem:v2+s1+$0x0 ss:$0x1], $0xffff;
	s0 =	sadd.s32 $0x200, s0  }
0x108: {  	v8 =	vmul.f32 v8, v9;
	v14 =	vbroadcast v3, $0xE;
	v15 =	vld [tilespmem:s0+$0xE0];
	v10 =	vadd.f32 v10, v11  }
0x109: {  	v16 =	vadd.f32 v13, v12;
	v5 =	vmul.f32 v5, v9;
	v17 =	vld [tilespmem:s0+$0xFFFFFF00]  }
0x10a: {  	v3 =	vbroadcast v3, $0xF;
	v18 =	vld [tilespmem:s0+$0xFFFFFF10];
	v7 =	vmul.f32 v7, v14;
	v8 =	vadd.f32 v8, v10  }
0x10b: {  	v19 =	vld [tilespmem:s0+$0xFFFFFF20];
	v5 =	vadd.f32 v5, v16;
	v6 =	vmul.f32 v6, v14  }
0x10c: {  	v20 =	vld [tilespmem:s0+$0xFFFFFF30];
	v1 =	vmul.f32 v1, v3;
	v7 =	vadd.f32 v7, v8;
	v21 =	vbroadcast v2, $0x0  }
0x10d: {  	v22 =	vld [tilespmem:s0+$0xFFFFFF40];
	v3 =	vmul.f32 v4, v3;
	v5 =	vadd.f32 v6, v5  }
0x10e: {  	v24 =	vld [tilespmem:s0+$0xFFFFFF50];
	v23 =	vbroadcast v2, $0x1;
	v1 =	vadd.f32 v1, v7;
	v25 =	vmul.f32 v21, v17  }
0x10f: {  	v27 =	vld [tilespmem:s0+$0xFFFFFF60];
	v3 =	vadd.f32 v3, v5;
	v26 =	vmul.f32 v18, v21  }
0x110: {  	v30 =	vld [tilespmem:s0+$0xFFFFFF70];
	v29 =	vbroadcast v2, $0x2;
	v28 =	vmul.f32 v19, v23;
	v1 =	vadd.f32 v25, v1  }
0x111: {  	v32 =	vld [tilespmem:s0+$0xFFFFFF80];
	v31 =	vmul.f32 v20, v23;
	v3 =	vadd.f32 v26, v3  }
0x112: {  	v34 =	vld [tilespmem:s0+$0xFFFFFF90];
	v33 =	vbroadcast v2, $0x3;
	v4 =	vmul.f32 v22, v29;
	v1 =	vadd.f32 v28, v1  }
0x113: {  	v36 =	vld [tilespmem:s0+$0xFFFFFFA0];
	v35 =	vmul.f32 v24, v29;
	v3 =	vadd.f32 v31, v3  }
0x114: {  	v38 =	vld [tilespmem:s0+$0xFFFFFFB0];
	v37 =	vbroadcast v2, $0x4;
	v8 =	vmul.f32 v27, v33;
	v1 =	vadd.f32 v4, v1  }
0x115: {  	v40 =	vld [tilespmem:s0+$0xFFFFFFC0];
	v39 =	vmul.f32 v30, v33;
	v3 =	vadd.f32 v35, v3  }
0x116: {  	v42 =	vld [tilespmem:s0+$0xFFFFFFD0];
	v41 =	vbroadcast v2, $0x5;
	v6 =	vmul.f32 v32, v37;
	v1 =	vadd.f32 v8, v1  }
0x117: {  	v44 =	vld [tilespmem:s0+$0xFFFFFFE0];
	v43 =	vmul.f32 v34, v37;
	v3 =	vadd.f32 v39, v3  }
0x118: {  	v46 =	vld [tilespmem:s0+$0xFFFFFFF0];
	v45 =	vbroadcast v2, $0x6;
	v9 =	vmul.f32 v36, v41;
	v1 =	vadd.f32 v6, v1  }
0x119: {  	v48 =	vld [tilespmem:s0+$0x0];
	v47 =	vmul.f32 v38, v41;
	v3 =	vadd.f32 v43, v3  }
0x11a: {  	v50 =	vld [tilespmem:s0+$0x10];
	v49 =	vbroadcast v2, $0x7;
	v5 =	vmul.f32 v40, v45;
	v1 =	vadd.f32 v9, v1  }
0x11b: {  	v52 =	vld [tilespmem:s0+$0x20];
	v51 =	vmul.f32 v42, v45;
	v3 =	vadd.f32 v47, v3  }
0x11c: {  	v54 =	vld [tilespmem:s0+$0x30];
	v53 =	vbroadcast v2, $0x8;
	v8 =	vmul.f32 v44, v49;
	v1 =	vadd.f32 v5, v1  }
0x11d: {  	v56 =	vld [tilespmem:s0+$0x40];
	v55 =	vmul.f32 v46, v49;
	v3 =	vadd.f32 v51, v3  }
0x11e: {  	v58 =	vld [tilespmem:s0+$0x50];
	v57 =	vbroadcast v2, $0x9;
	v6 =	vmul.f32 v48, v53;
	v1 =	vadd.f32 v8, v1  }
0x11f: {  	v60 =	vld [tilespmem:s0+$0x60];
	v59 =	vmul.f32 v50, v53;
	v3 =	vadd.f32 v55, v3  }
0x120: {  	v62 =	vld [tilespmem:s0+$0x70];
	v61 =	vbroadcast v2, $0xA;
	v9 =	vmul.f32 v52, v57;
	v1 =	vadd.f32 v6, v1  }
0x121: {  	v16 =	vld [tilespmem:s0+$0x80];
	v63 =	vmul.f32 v54, v57;
	v3 =	vadd.f32 v59, v3  }
0x122: {  	v17 =	vbroadcast v2, $0xB;
	v18 =	vld [tilespmem:s0+$0x90];
	v5 =	vmul.f32 v56, v61;
	v1 =	vadd.f32 v9, v1  }
0x123: {  	v19 =	vmul.f32 v58, v61;
	v20 =	vld [tilespmem:s0+$0xA0];
	v3 =	vadd.f32 v63, v3  }
0x124: {  	v21 =	vbroadcast v2, $0xC;
	v22 =	vld [tilespmem:s0+$0xB0];
	v8 =	vmul.f32 v60, v17;
	v1 =	vadd.f32 v5, v1  }
0x125: {  	v24 =	vld [tilespmem:s0+$0xC0];
	v23 =	vmul.f32 v62, v17;
	v3 =	vadd.f32 v19, v3  }
0x126: {  	s31 =	smul.u32 $0x6400, s26;
	v25 =	vbroadcast v2, $0xD;
	v26 =	vld [tilespmem:s0+$0xD0];
	v6 =	vmul.f32 v16, v21;
	v1 =	vadd.f32 v8, v1  }
0x127: {  	v28 =	vld [tilespmem:s30+$0x1378];
	v27 =	vmul.f32 v18, v21;
	v3 =	vadd.f32 v23, v3  }
0x128: {  	v29 =	vld [tilespmem:s0+$0xF0];
	v30 =	vbroadcast v2, $0xE;
	s30 =	sshra.s32 s31, $0x2;
	v9 =	vmul.f32 v20, v25;
	v1 =	vadd.f32 v6, v1  }
0x129: {  	v31 =	vmul.f32 v22, v25;
	v32 =	vld [tilespmem:s30+$0xF900];
	v3 =	vadd.f32 v27, v3  }
0x12a: {  	v2 =	vbroadcast v2, $0xF;
	v33 =	vld [tilespmem:s30+$0xF910];
	v5 =	vmul.f32 v24, v30;
	v1 =	vadd.f32 v9, v1  }
0x12b: {  	v35 =	vld [tilespmem:s30+$0xF920];
	v34 =	vmul.f32 v26, v30;
	v3 =	vadd.f32 v31, v3  }
0x12c: {  	v36 =	vmul.f32 v15, v2;
	v38 =	vld [tilespmem:s30+$0xF930];
	v37 =	vbroadcast v28, $0x8;
	v1 =	vadd.f32 v5, v1  }
0x12d: {  	v2 =	vmul.f32 v29, v2;
	v39 =	vld [tilespmem:s30+$0xF940];
	v3 =	vadd.f32 v34, v3  }
0x12e: {  	v41 =	vld [tilespmem:s30+$0xF950];
	v40 =	vbroadcast v28, $0x9;
	v6 =	vmul.f32 v37, v32;
	v1 =	vadd.f32 v36, v1  }
0x12f: {  	v42 =	vld [tilespmem:s30+$0xF960];
	v2 =	vadd.f32 v2, v3;
	v3 =	vmul.f32 v33, v37  }
0x130: {  	v45 =	vld [tilespmem:s30+$0xF970];
	v44 =	vbroadcast v28, $0xA;
	v43 =	vmul.f32 v35, v40;
	v1 =	vadd.f32 v6, v1  }
0x131: {  	v46 =	vld [tilespmem:s30+$0xF980];
	v2 =	vadd.f32 v3, v2;
	v3 =	vmul.f32 v38, v40  }
0x132: {  	v48 =	vld [tilespmem:s30+$0xF990];
	v47 =	vbroadcast v28, $0xB;
	v4 =	vmul.f32 v39, v44;
	v1 =	vadd.f32 v43, v1  }
0x133: {  	v49 =	vld [tilespmem:s30+$0xF9A0];
	v2 =	vadd.f32 v3, v2;
	v3 =	vmul.f32 v41, v44  }
0x134: {  	v52 =	vld [tilespmem:s30+$0xF9B0];
	v50 =	vmul.f32 v42, v47;
	v51 =	vbroadcast v28, $0xC;
	v1 =	vadd.f32 v4, v1  }
0x135: {  	v53 =	vld [tilespmem:s30+$0xF9C0];
	v2 =	vadd.f32 v3, v2;
	v3 =	vmul.f32 v45, v47  }
0x136: {  	v56 =	vld [tilespmem:s30+$0xF9D0];
	v54 =	vmul.f32 v46, v51;
	v55 =	vbroadcast v28, $0xD;
	v1 =	vadd.f32 v50, v1  }
0x137: {  	v57 =	vld [tilespmem:s30+$0xF9E0];
	v2 =	vadd.f32 v3, v2;
	v3 =	vmul.f32 v48, v51  }
0x138: {  	v60 =	vld [tilespmem:s30+$0xF9F0];
	v58 =	vmul.f32 v49, v55;
	v59 =	vbroadcast v28, $0xE;
	v1 =	vadd.f32 v54, v1  }
0x139: {  	v2 =	vadd.f32 v3, v2;
	v3 =	vmul.f32 v52, v55  }
0x13a: {  	v62 =	vbroadcast v28, $0xF;
	v61 =	vmul.f32 v53, v59;
	v1 =	vadd.f32 v58, v1  }
0x13b: {  	s31 =	sshll.u32 s26, $0x5;
	s26 =	sadd.s32 $0x1, s26;
	v2 =	vadd.f32 v3, v2;
	v3 =	vmul.f32 v56, v59  }
0x13c: {  	p1 =	sne.s32 s26, $0x8;
	v63 =	vmul.f32 v57, v62;
	v1 =	vadd.f32 v61, v1  }
.Ltmp5:
0x13d: {  	v2 =	vadd.f32 v3, v2;
	v3 =	vmul.f32 v60, v62;
	(pc) =	sbr.rel @p1 .LBB2_7-.Ltmp5, $4  }
0x13e: {  	v1 =	vadd.f32 v63, v1  }
0x13f: {  	s0 =	sand.u32 $0x3FFFFFE0, s31;
	v2 =	vadd.f32 v3, v2  }
0x140: {  	[tilespmem:v0+s0+$0x100 ss:$0x1] =	vst.idx.msk $0xffff, v1  }
0x141: {  	s28 =	sadd.s32 $0xC8, s28;
	s29 =	sadd.s32 $0x1900, s29;
	[tilespmem:v0+s0+$0x110 ss:$0x1] =	vst.idx.msk $0xffff, v2  }
.Ltmp6:
0x142: {  	(pc) =	sbr.rel @p0 .LBB2_12-.Ltmp6, $1  }
0x143: {  	_ =	sdelay $0x3  }
0x144: {  	s0 =	smul.u32 $0xC80, s25;
	_ =	sdelay $0x1  }
0x145: {  	s0 =	sadd.s32 s0, s11  }
.Ltmp7:
0x146: {  	s0 =	sshrl.u32 s0, $0x3;
	(pc) =	sbr.rel .LBB2_2-.Ltmp7, $4  }
0x147: {  	s1 =	sadd.s32 s3, s0  }
0x148: {  	[tilespmem:s16], [sflag:$0x2] =	stream.linear.gather [hbm4b:s1+s2], $0x640, $0x38;
	[tilespmem:$0x1E900] =	vst v63  }
0x149: {  	s25 =	sadd.s32 $0x1, s25;
	s0 =	sadd.s32 s4, s0  }
0x14a: {  	[tilespmem:s18], [sflag:$0x2] =	stream.linear.gather [hbm4b:s0+s2], $0x640, $0x38;
	[tilespmem:$0x1E900] =	vst v63  }
.LBB2_13:
0x14b: {  	_ =	sfence.sel $0x180000  }
0x14c: {  	[bflag:$0x0] =	sbarrier.arrive $0xFFFF  }
0x14d: {  	_ =	strace $0x90000047  }
0x14e: {  	s0 =	stileid.u32;
	[bflag:$0x2] =	sbarrier.arrive $0xFFFF  }
0x14f: {  	p0 =	sne.s32 s0, $0x0;
	s0 =	rddreg [dreg:$0x2]  }
0x150: {  	s0 =	sadd.s32 @!p0 $0x100000, s0  }
0x151: {  	[sflag:s0] =	ssyncadd.tile.s32 @!p0 $0x1;
	_ =	shalt  }
.Lfunc_end2:
_tile_overlayer_lowered:
.L_overlay_start_2:
0x152: {  	(tag) =	ssettag $0x2  }
0x153: {  	s0 =	rddreg [dreg:$0x0];
	s2 =	stileid.u32  }
0x154: {  	s1 =	rddreg [dreg:$0x1];
	p0 =	sne.s32 s2, $0x0  }
0x155: {  	s3 =	rddreg [dreg:$0x2];
	[bflag:$0x3] =	sbarrier.arrive $0xFFFF;
	s2 =	simm.s32 @!p0 $0x1C05  }
0x156: {  	[timem:s3], [sflag:s2] =	dma.local @!p0 [hbm:s0], s1  }
0x157: {  	s0 =	simm.s32 @!p0 $0x5  }
0x158: {  	_ =	swait.ge @!p0 [sflag:s0], s1  }
0x159: {  	s1 =	ssub.s32 @!p0 $0x0, s1;
	[sflag:s0] =	ssyncset.done @!p0 $0x0  }
0x15a: {  	[sflag:s0] =	ssyncadd.s32 @!p0 s1  }
0x15b: {  	[bflag:$0x3] =	sbarrier.arrive $0xFFFF  }
0x15c: {  	_ =	shalt  }

</sc_bundles>
